<compile_context>
chip_gen: v7x
topology: tpu7x:2x2x1
jax: 0.10.2.dev20260603
libtpu: 0.0.44.dev20260713+nightly
codegen_flags: <defaults>
</compile_context>

<pallas_src>
import jax
import jax.numpy as jnp
from jax import lax
from jax.experimental import pallas as pl
from jax.experimental.pallas import tpu as pltpu
from jax.experimental.pallas import tpu_sc as plsc

B = 4096
N_CAT = 26
N_NUM = 13
N_COL = N_CAT + N_NUM
VOCAB = 100000
D = 32
L = 16

try:
    _info = plsc.get_sparse_core_info()
    _NC, _NS = _info.num_cores, _info.num_subcores
except Exception:
    _NC, _NS = 2, 16
NW = _NC * _NS
NB = B // NW
CB = 64
NCH = NB // CB
ROWS = CB * N_COL
IDXN = CB * N_CAT


def _body(cat_hbm, num_hbm, tab_hbm, w_hbm, bias_hbm, out_hbm,
          tmp_idx, idx_full, staging, numf_v, w_v, bias_v, sem):
    wid = lax.axis_index("s") * _NC + lax.axis_index("c")
    pltpu.sync_copy(w_hbm, w_v)
    pltpu.sync_copy(bias_hbm, bias_v)

    for ch in range(NCH):
        base = wid * NB + ch * CB

        pltpu.sync_copy(cat_hbm.at[pl.ds(base * N_CAT, IDXN)], tmp_idx)
        pltpu.sync_copy(num_hbm.at[pl.ds(base * N_NUM, CB * N_NUM)], numf_v)

        iota = lax.broadcasted_iota(jnp.int32, (L,), 0)
        zero = jnp.full((L,), 0, jnp.int32)

        def build(i, carry):
            bvec, cvec = carry
            is_cat = cvec < jnp.full((L,), N_CAT, jnp.int32)
            c2 = cvec - jnp.where(is_cat, zero, jnp.full((L,), N_CAT, jnp.int32))
            src = bvec * N_CAT + c2
            v = plsc.load_gather(tmp_idx, [src])
            idx_full[pl.ds(i * L, L)] = jnp.where(
                is_cat, v + c2 * VOCAB, jnp.full((L,), -1, jnp.int32))
            cn = cvec + L
            wrap = cn >= jnp.full((L,), N_COL, jnp.int32)
            cn = jnp.where(wrap, cn - N_COL, cn)
            bn = bvec + jnp.where(wrap, jnp.full((L,), 1, jnp.int32), zero)
            return bn, cn

        lax.fori_loop(0, ROWS // L, build, (zero, iota))

        gather = pltpu.async_copy(
            tab_hbm.at[plsc.Indices(idx_full, ignored_value=-1)], staging, sem)

        for n in range(N_NUM):
            w_lo = w_v[pl.ds(n * D, L)]
            w_hi = w_v[pl.ds(n * D + L, L)]
            b_lo = bias_v[pl.ds(n * D, L)]
            b_hi = bias_v[pl.ds(n * D + L, L)]

            def nbody(b, _, n=n, w_lo=w_lo, w_hi=w_hi, b_lo=b_lo, b_hi=b_hi):
                val = plsc.load_gather(
                    numf_v, [jnp.full((L,), b * N_NUM + n, jnp.int32)])
                row = b * N_COL + N_CAT + n
                staging[row, pl.ds(0, L)] = val * w_lo + b_lo
                staging[row, pl.ds(L, L)] = val * w_hi + b_hi
                return 0

            lax.fori_loop(0, CB, nbody, 0)

        gather.wait()

        pltpu.sync_copy(staging, out_hbm.at[pl.ds(base * N_COL, ROWS)])


@jax.jit
def kernel(cat_feat, num_feat, emb_table, lin_w, lin_b):
    cat_flat = cat_feat.reshape(B * N_CAT).astype(jnp.int32)
    num_flat = num_feat.reshape(B * N_NUM)
    tab_flat = emb_table.reshape(N_CAT * VOCAB, D)
    w_flat = lin_w.reshape(N_NUM * D)
    b_flat = lin_b.reshape(N_NUM * D)

    f = pl.kernel(
        _body,
        out_type=jax.ShapeDtypeStruct((B * N_COL, D), jnp.float32),
        mesh=plsc.VectorSubcoreMesh(
            core_axis_name="c", subcore_axis_name="s", num_cores=_NC),
        compiler_params=pltpu.CompilerParams(
            use_tc_tiling_on_sc=False, needs_layout_passes=False),
        scratch_types=[
            pltpu.VMEM((IDXN,), jnp.int32),
            pltpu.VMEM((ROWS,), jnp.int32),
            pltpu.VMEM((ROWS, D), jnp.float32),
            pltpu.VMEM((CB * N_NUM,), jnp.float32),
            pltpu.VMEM((N_NUM * D,), jnp.float32),
            pltpu.VMEM((N_NUM * D,), jnp.float32),
            pltpu.SemaphoreType.DMA,
        ],
    )
    out = f(cat_flat, num_flat, tab_flat, w_flat, b_flat)
    return out.reshape(B, N_COL, D)

# --- scband reference (transcript-rebuilt; emitter-appended) ---
"""Pipeline reference for scband-dbembedder-82506321756268 (READ-ONLY COPY).

The authoritative reference and input builder live on the scoring server;
editing this copy changes nothing except your own understanding.
"""

import jax, jax.numpy as jnp
import numpy as np

B = 4096
N_CAT = 26
N_NUM = 13
VOCAB = 100000
D = 32

def setup_inputs(seed: int = 0) -> dict:
    key = jax.random.key(seed)
    k1, k2, k3, k4, k5 = jax.random.split(key, 5)
    cat_feat = jax.random.randint(k1, (B, N_CAT), 0, VOCAB, dtype=jnp.int64) if jax.config.jax_enable_x64 else jax.random.randint(k1, (B, N_CAT), 0, VOCAB, dtype=jnp.int32)
    num_feat = jax.random.normal(k2, (B, N_NUM), dtype=jnp.float32)
    emb_table = jax.random.normal(k3, (N_CAT, VOCAB, D), dtype=jnp.float32) * 0.02
    lin_w = jax.random.normal(k4, (N_NUM, D), dtype=jnp.float32) * 0.1
    lin_b = jax.random.normal(k5, (N_NUM, D), dtype=jnp.float32) * 0.01
    return {"cat_feat": cat_feat, "num_feat": num_feat, "emb_table": emb_table, "lin_w": lin_w, "lin_b": lin_b}

def reference(cat_feat, num_feat, emb_table, lin_w, lin_b):
    # Categorical columns: per-column embedding lookup (EmbeddingEncoder)
    # emb_table: [N_CAT, VOCAB, D], cat_feat: [B, N_CAT] -> x_cat: [B, N_CAT, D]
    x_cat = jax.vmap(lambda tab, idx: jnp.take(tab, idx, axis=0), in_axes=(0, 1), out_axes=1)(emb_table, cat_feat)
    # Numerical columns: per-column linear encoder (LinearEncoder)
    # num_feat: [B, N_NUM] -> x_num: [B, N_NUM, D]
    x_num = num_feat[:, :, None] * lin_w[None, :, :] + lin_b[None, :, :]
    # TableEmbedder concatenates per-stype outputs along the column axis
    x = jnp.concatenate([x_cat, x_num], axis=1)  # [B, N_CAT + N_NUM, D]
    return x

if __name__ == "__main__":
    import jax
    _d = setup_inputs()
    print(jax.jit(kernel)(*tuple(_d.values())))

</pallas_src>

<mosaic_0001>
#map = affine_map<(d0, d1) -> (0)>
#map1 = affine_map<(d0, d1) -> (0, 0)>
module attributes {stable_mosaic.version = 14 : i64} {
  func.func @_body(%arg0: i32, %arg1: i32, %arg2: memref<106496xi32, #tpu.memory_space<hbm>>, %arg3: memref<53248xf32, #tpu.memory_space<hbm>>, %arg4: memref<2600000x32xf32, #tpu.memory_space<hbm>>, %arg5: memref<416xf32, #tpu.memory_space<hbm>>, %arg6: memref<416xf32, #tpu.memory_space<hbm>>, %arg7: memref<159744x32xf32, #tpu.memory_space<hbm>>, %arg8: memref<1664xi32, #tpu.memory_space<vmem>>, %arg9: memref<2496xi32, #tpu.memory_space<vmem>>, %arg10: memref<2496x32xf32, #tpu.memory_space<vmem>>, %arg11: memref<832xf32, #tpu.memory_space<vmem>>, %arg12: memref<416xf32, #tpu.memory_space<vmem>>, %arg13: memref<416xf32, #tpu.memory_space<vmem>>, %arg14: memref<!tpu.dma_semaphore, #tpu.memory_space<semaphore_mem>>) attributes {dimension_semantics = [#tpu.dimension_semantics<core_parallel>, #tpu.dimension_semantics<subcore_parallel>], iteration_bounds = array<i64: 2, 16>, scalar_prefetch = 0 : i64, scratch_operands = 7 : i64, tpu.core_type = #tpu.core_type<sc_vector_subcore>, window_params = [{transform_indices = #map}, {transform_indices = #map}, {transform_indices = #map1}, {transform_indices = #map}, {transform_indices = #map}, {transform_indices = #map1}]} {
    %mul3A = arith.constant 2 : i32
    %mul3A_0 = arith.muli %arg1, %mul3A : i32
    %add3A = arith.addi %mul3A_0, %arg0 : i32
    "tpu.region"() ({
      %run_scoped3A = tpu.sem_alloc : memref<!tpu.dma_semaphore, #tpu.memory_space<semaphore_mem>>
      tpu.enqueue_dma source(%arg5 : memref<416xf32, #tpu.memory_space<hbm>>) target(%arg12 : memref<416xf32, #tpu.memory_space<vmem>>) target_semaphore(%run_scoped3A : memref<!tpu.dma_semaphore, #tpu.memory_space<semaphore_mem>>)
      tpu.wait_dma2 semaphore(%run_scoped3A : memref<!tpu.dma_semaphore, #tpu.memory_space<semaphore_mem>>) src(%arg5 : memref<416xf32, #tpu.memory_space<hbm>>) dst(%arg12 : memref<416xf32, #tpu.memory_space<vmem>>)
      tpu.yield
    }) : () -> ()
    "tpu.region"() ({
      %run_scoped3A = tpu.sem_alloc : memref<!tpu.dma_semaphore, #tpu.memory_space<semaphore_mem>>
      tpu.enqueue_dma source(%arg6 : memref<416xf32, #tpu.memory_space<hbm>>) target(%arg13 : memref<416xf32, #tpu.memory_space<vmem>>) target_semaphore(%run_scoped3A : memref<!tpu.dma_semaphore, #tpu.memory_space<semaphore_mem>>)
      tpu.wait_dma2 semaphore(%run_scoped3A : memref<!tpu.dma_semaphore, #tpu.memory_space<semaphore_mem>>) src(%arg6 : memref<416xf32, #tpu.memory_space<hbm>>) dst(%arg13 : memref<416xf32, #tpu.memory_space<vmem>>)
      tpu.yield
    }) : () -> ()
    %mul3A_1 = arith.constant 128 : i32
    %mul3A_2 = arith.muli %add3A, %mul3A_1 : i32
    %add3A_3 = arith.constant 0 : i32
    %add3A_4 = arith.addi %mul3A_2, %add3A_3 : i32
    %mul3A_5 = arith.constant 26 : i32
    %mul3A_6 = arith.muli %add3A_4, %mul3A_5 : i32
    "tpu.region"() ({
      %run_scoped3A = tpu.sem_alloc : memref<!tpu.dma_semaphore, #tpu.memory_space<semaphore_mem>>
      %dma_start3A_437 = tpu.memref_slice %arg2[%mul3A_6] : memref<106496xi32, #tpu.memory_space<hbm>> -> memref<1664xi32, #tpu.memory_space<hbm>>
      %dma_start3A_438 = tpu.memref_slice %arg2[%mul3A_6] : memref<106496xi32, #tpu.memory_space<hbm>> -> memref<1664xi32, #tpu.memory_space<hbm>>
      tpu.enqueue_dma source(%dma_start3A_438 : memref<1664xi32, #tpu.memory_space<hbm>>) target(%arg8 : memref<1664xi32, #tpu.memory_space<vmem>>) target_semaphore(%run_scoped3A : memref<!tpu.dma_semaphore, #tpu.memory_space<semaphore_mem>>)
      %dma_wait3A_439 = tpu.memref_slice %arg2[%mul3A_6] : memref<106496xi32, #tpu.memory_space<hbm>> -> memref<1664xi32, #tpu.memory_space<hbm>>
      %dma_wait3A_440 = tpu.memref_slice %arg2[%mul3A_6] : memref<106496xi32, #tpu.memory_space<hbm>> -> memref<1664xi32, #tpu.memory_space<hbm>>
      tpu.wait_dma2 semaphore(%run_scoped3A : memref<!tpu.dma_semaphore, #tpu.memory_space<semaphore_mem>>) src(%dma_wait3A_440 : memref<1664xi32, #tpu.memory_space<hbm>>) dst(%arg8 : memref<1664xi32, #tpu.memory_space<vmem>>)
      tpu.yield
    }) : () -> ()
    %mul3A_7 = arith.constant 13 : i32
    %mul3A_8 = arith.muli %add3A_4, %mul3A_7 : i32
    "tpu.region"() ({
      %run_scoped3A = tpu.sem_alloc : memref<!tpu.dma_semaphore, #tpu.memory_space<semaphore_mem>>
      %dma_start3A_437 = tpu.memref_slice %arg3[%mul3A_8] : memref<53248xf32, #tpu.memory_space<hbm>> -> memref<832xf32, #tpu.memory_space<hbm>>
      %dma_start3A_438 = tpu.memref_slice %arg3[%mul3A_8] : memref<53248xf32, #tpu.memory_space<hbm>> -> memref<832xf32, #tpu.memory_space<hbm>>
      tpu.enqueue_dma source(%dma_start3A_438 : memref<832xf32, #tpu.memory_space<hbm>>) target(%arg11 : memref<832xf32, #tpu.memory_space<vmem>>) target_semaphore(%run_scoped3A : memref<!tpu.dma_semaphore, #tpu.memory_space<semaphore_mem>>)
      %dma_wait3A_439 = tpu.memref_slice %arg3[%mul3A_8] : memref<53248xf32, #tpu.memory_space<hbm>> -> memref<832xf32, #tpu.memory_space<hbm>>
      %dma_wait3A_440 = tpu.memref_slice %arg3[%mul3A_8] : memref<53248xf32, #tpu.memory_space<hbm>> -> memref<832xf32, #tpu.memory_space<hbm>>
      tpu.wait_dma2 semaphore(%run_scoped3A : memref<!tpu.dma_semaphore, #tpu.memory_space<semaphore_mem>>) src(%dma_wait3A_440 : memref<832xf32, #tpu.memory_space<hbm>>) dst(%arg11 : memref<832xf32, #tpu.memory_space<vmem>>)
      tpu.yield
    }) : () -> ()
    %iota3A = tpu.iota {dimensions = array<i32: 0>} : vector<16xi32>
    %broadcast_in_dim3A = arith.constant 0 : i32
    %broadcast_in_dim3A_9 = vector.broadcast %broadcast_in_dim3A : i32 to vector<16xi32>
    %scan3A = arith.constant 0 : i32
    %scan3A_10 = arith.constant 156 : i32
    %scan3A_11 = arith.addi %scan3A, %scan3A_10 : i32
    %scan3A_12 = arith.constant 1 : i32
    %scan3A_13:2 = scf.for %scan3A_437 = %scan3A to %scan3A_11 step %scan3A_12 iter_args(%scan3A_438 = %broadcast_in_dim3A_9, %scan3A_439 = %iota3A) -> (vector<16xi32>, vector<16xi32>)  : i32 {
      %broadcast_in_dim3A_440 = arith.constant 26 : i32
      %broadcast_in_dim3A_441 = vector.broadcast %broadcast_in_dim3A_440 : i32 to vector<16xi32>
      %lt3A = arith.cmpi slt, %scan3A_439, %broadcast_in_dim3A_441 : vector<16xi32>
      %broadcast_in_dim3A_442 = arith.constant 26 : i32
      %broadcast_in_dim3A_443 = vector.broadcast %broadcast_in_dim3A_442 : i32 to vector<16xi32>
      %select_n3A = arith.select %lt3A, %broadcast_in_dim3A_9, %broadcast_in_dim3A_443 : vector<16xi1>, vector<16xi32>
      %sub3A = arith.subi %scan3A_439, %select_n3A : vector<16xi32>
      %mul3A_444 = arith.constant 26 : i32
      %mul3A_445 = vector.broadcast %mul3A_444 : i32 to vector<16xi32>
      %mul3A_446 = arith.muli %scan3A_438, %mul3A_445 : vector<16xi32>
      %add3A_447 = arith.addi %mul3A_446, %sub3A : vector<16xi32>
      %gather3A = tpu.vector_load_idx %arg8[%add3A_447] : memref<1664xi32, #tpu.memory_space<vmem>>[vector<16xi32>], vector<16xi32>,
      %mul3A_448 = arith.constant 100000 : i32
      %mul3A_449 = vector.broadcast %mul3A_448 : i32 to vector<16xi32>
      %mul3A_450 = arith.muli %sub3A, %mul3A_449 : vector<16xi32>
      %add3A_451 = arith.addi %gather3A, %mul3A_450 : vector<16xi32>
      %broadcast_in_dim3A_452 = arith.constant -1 : i32
      %broadcast_in_dim3A_453 = vector.broadcast %broadcast_in_dim3A_452 : i32 to vector<16xi32>
      %select_n3A_454 = arith.select %lt3A, %add3A_451, %broadcast_in_dim3A_453 : vector<16xi1>, vector<16xi32>
      %mul3A_455 = arith.constant 16 : i32
      %mul3A_456 = arith.muli %scan3A_437, %mul3A_455 : i32
      %swap3A = arith.index_cast %mul3A_456 : i32 to index
      %swap3A_457 = tpu.vector_load %arg9[%swap3A] {strides = array<i32>} : memref<2496xi32, #tpu.memory_space<vmem>>, vector<16xi32>,
      tpu.vector_store %arg9[%swap3A], %select_n3A_454 {strides = array<i32>} : memref<2496xi32, #tpu.memory_space<vmem>>, vector<16xi32>,
      %add3A_458 = arith.constant 16 : i32
      %add3A_459 = vector.broadcast %add3A_458 : i32 to vector<16xi32>
      %add3A_460 = arith.addi %scan3A_439, %add3A_459 : vector<16xi32>
      %broadcast_in_dim3A_461 = arith.constant 39 : i32
      %broadcast_in_dim3A_462 = vector.broadcast %broadcast_in_dim3A_461 : i32 to vector<16xi32>
      %ge3A = arith.cmpi sge, %add3A_460, %broadcast_in_dim3A_462 : vector<16xi32>
      %sub3A_463 = arith.constant 39 : i32
      %sub3A_464 = vector.broadcast %sub3A_463 : i32 to vector<16xi32>
      %sub3A_465 = arith.subi %add3A_460, %sub3A_464 : vector<16xi32>
      %select_n3A_466 = arith.select %ge3A, %sub3A_465, %add3A_460 : vector<16xi1>, vector<16xi32>
      %broadcast_in_dim3A_467 = arith.constant 1 : i32
      %broadcast_in_dim3A_468 = vector.broadcast %broadcast_in_dim3A_467 : i32 to vector<16xi32>
      %select_n3A_469 = arith.select %ge3A, %broadcast_in_dim3A_468, %broadcast_in_dim3A_9 : vector<16xi1>, vector<16xi32>
      %add3A_470 = arith.addi %scan3A_438, %select_n3A_469 : vector<16xi32>
      scf.yield %add3A_470, %select_n3A_466 : vector<16xi32>, vector<16xi32>
    }
    %scan3A_14 = arith.constant 156 : i32
    %dma_start3A = arith.constant 0 : i32
    %dma_start3A_15 = arith.constant 0 : i32
    %dma_start3A_16 = tpu.memref_slice %arg4[%dma_start3A, %dma_start3A_15] : memref<2600000x32xf32, #tpu.memory_space<hbm>> -> memref<2600000x32xf32, #tpu.memory_space<hbm>>
    %dma_start3A_17 = arith.constant -1 : i32
    tpu.enqueue_indirect_dma source(%dma_start3A_16 : memref<2600000x32xf32, #tpu.memory_space<hbm>>) target(%arg10 : memref<2496x32xf32, #tpu.memory_space<vmem>>) offsets(%arg9 : memref<2496xi32, #tpu.memory_space<vmem>>) offset_filter(%dma_start3A_17) semaphore(%arg14 : memref<!tpu.dma_semaphore, #tpu.memory_space<semaphore_mem>>)
    %get3A = arith.constant 0 : index
    %get3A_18 = tpu.vector_load %arg12[%get3A] {strides = array<i32>} : memref<416xf32, #tpu.memory_space<vmem>>, vector<16xf32>,
    %get3A_19 = arith.constant 16 : index
    %get3A_20 = tpu.vector_load %arg12[%get3A_19] {strides = array<i32>} : memref<416xf32, #tpu.memory_space<vmem>>, vector<16xf32>,
    %get3A_21 = arith.constant 0 : index
    %get3A_22 = tpu.vector_load %arg13[%get3A_21] {strides = array<i32>} : memref<416xf32, #tpu.memory_space<vmem>>, vector<16xf32>,
    %get3A_23 = arith.constant 16 : index
    %get3A_24 = tpu.vector_load %arg13[%get3A_23] {strides = array<i32>} : memref<416xf32, #tpu.memory_space<vmem>>, vector<16xf32>,
    %scan3A_25 = arith.constant 0 : i32
    %scan3A_26 = arith.constant 0 : i32
    %scan3A_27 = arith.constant 64 : i32
    %scan3A_28 = arith.addi %scan3A_26, %scan3A_27 : i32
    %scan3A_29 = arith.constant 1 : i32
    %scan3A_30 = scf.for %scan3A_437 = %scan3A_26 to %scan3A_28 step %scan3A_29 iter_args(%scan3A_438 = %scan3A_25) -> (i32)  : i32 {
      %mul3A_439 = arith.constant 13 : i32
      %mul3A_440 = arith.muli %scan3A_437, %mul3A_439 : i32
      %add3A_441 = arith.constant 0 : i32
      %add3A_442 = arith.addi %mul3A_440, %add3A_441 : i32
      %broadcast_in_dim3A_443 = vector.broadcast %add3A_442 : i32 to vector<16xi32>
      %gather3A = tpu.vector_load_idx %arg11[%broadcast_in_dim3A_443] : memref<832xf32, #tpu.memory_space<vmem>>[vector<16xi32>], vector<16xf32>,
      %mul3A_444 = arith.constant 39 : i32
      %mul3A_445 = arith.muli %scan3A_437, %mul3A_444 : i32
      %add3A_446 = arith.constant 26 : i32
      %add3A_447 = arith.addi %mul3A_445, %add3A_446 : i32
      %add3A_448 = arith.constant 0 : i32
      %add3A_449 = arith.addi %add3A_447, %add3A_448 : i32
      %mul3A_450 = arith.mulf %gather3A, %get3A_18 : vector<16xf32>
      %add3A_451 = arith.addf %mul3A_450, %get3A_22 : vector<16xf32>
      %swap3A = arith.index_cast %add3A_449 : i32 to index
      %swap3A_452 = arith.constant 0 : index
      %swap3A_453 = tpu.vector_load %arg10[%swap3A, %swap3A_452] {strides = array<i32>} : memref<2496x32xf32, #tpu.memory_space<vmem>>, vector<16xf32>,
      tpu.vector_store %arg10[%swap3A, %swap3A_452], %add3A_451 {strides = array<i32>} : memref<2496x32xf32, #tpu.memory_space<vmem>>, vector<16xf32>,
      %mul3A_454 = arith.mulf %gather3A, %get3A_20 : vector<16xf32>
      %add3A_455 = arith.addf %mul3A_454, %get3A_24 : vector<16xf32>
      %swap3A_456 = arith.index_cast %add3A_449 : i32 to index
      %swap3A_457 = arith.constant 16 : index
      %swap3A_458 = tpu.vector_load %arg10[%swap3A_456, %swap3A_457] {strides = array<i32>} : memref<2496x32xf32, #tpu.memory_space<vmem>>, vector<16xf32>,
      tpu.vector_store %arg10[%swap3A_456, %swap3A_457], %add3A_455 {strides = array<i32>} : memref<2496x32xf32, #tpu.memory_space<vmem>>, vector<16xf32>,
      %scan3A_459 = arith.constant 0 : i32
      scf.yield %scan3A_459 : i32
    }
    %scan3A_31 = arith.constant 64 : i32
    %get3A_32 = arith.constant 32 : index
    %get3A_33 = tpu.vector_load %arg12[%get3A_32] {strides = array<i32>} : memref<416xf32, #tpu.memory_space<vmem>>, vector<16xf32>,
    %get3A_34 = arith.constant 48 : index
    %get3A_35 = tpu.vector_load %arg12[%get3A_34] {strides = array<i32>} : memref<416xf32, #tpu.memory_space<vmem>>, vector<16xf32>,
    %get3A_36 = arith.constant 32 : index
    %get3A_37 = tpu.vector_load %arg13[%get3A_36] {strides = array<i32>} : memref<416xf32, #tpu.memory_space<vmem>>, vector<16xf32>,
    %get3A_38 = arith.constant 48 : index
    %get3A_39 = tpu.vector_load %arg13[%get3A_38] {strides = array<i32>} : memref<416xf32, #tpu.memory_space<vmem>>, vector<16xf32>,
    %scan3A_40 = arith.constant 0 : i32
    %scan3A_41 = arith.constant 0 : i32
    %scan3A_42 = arith.constant 64 : i32
    %scan3A_43 = arith.addi %scan3A_41, %scan3A_42 : i32
    %scan3A_44 = arith.constant 1 : i32
    %scan3A_45 = scf.for %scan3A_437 = %scan3A_41 to %scan3A_43 step %scan3A_44 iter_args(%scan3A_438 = %scan3A_40) -> (i32)  : i32 {
      %mul3A_439 = arith.constant 13 : i32
      %mul3A_440 = arith.muli %scan3A_437, %mul3A_439 : i32
      %add3A_441 = arith.constant 1 : i32
      %add3A_442 = arith.addi %mul3A_440, %add3A_441 : i32
      %broadcast_in_dim3A_443 = vector.broadcast %add3A_442 : i32 to vector<16xi32>
      %gather3A = tpu.vector_load_idx %arg11[%broadcast_in_dim3A_443] : memref<832xf32, #tpu.memory_space<vmem>>[vector<16xi32>], vector<16xf32>,
      %mul3A_444 = arith.constant 39 : i32
      %mul3A_445 = arith.muli %scan3A_437, %mul3A_444 : i32
      %add3A_446 = arith.constant 26 : i32
      %add3A_447 = arith.addi %mul3A_445, %add3A_446 : i32
      %add3A_448 = arith.constant 1 : i32
      %add3A_449 = arith.addi %add3A_447, %add3A_448 : i32
      %mul3A_450 = arith.mulf %gather3A, %get3A_33 : vector<16xf32>
      %add3A_451 = arith.addf %mul3A_450, %get3A_37 : vector<16xf32>
      %swap3A = arith.index_cast %add3A_449 : i32 to index
      %swap3A_452 = arith.constant 0 : index
      %swap3A_453 = tpu.vector_load %arg10[%swap3A, %swap3A_452] {strides = array<i32>} : memref<2496x32xf32, #tpu.memory_space<vmem>>, vector<16xf32>,
      tpu.vector_store %arg10[%swap3A, %swap3A_452], %add3A_451 {strides = array<i32>} : memref<2496x32xf32, #tpu.memory_space<vmem>>, vector<16xf32>,
      %mul3A_454 = arith.mulf %gather3A, %get3A_35 : vector<16xf32>
      %add3A_455 = arith.addf %mul3A_454, %get3A_39 : vector<16xf32>
      %swap3A_456 = arith.index_cast %add3A_449 : i32 to index
      %swap3A_457 = arith.constant 16 : index
      %swap3A_458 = tpu.vector_load %arg10[%swap3A_456, %swap3A_457] {strides = array<i32>} : memref<2496x32xf32, #tpu.memory_space<vmem>>, vector<16xf32>,
      tpu.vector_store %arg10[%swap3A_456, %swap3A_457], %add3A_455 {strides = array<i32>} : memref<2496x32xf32, #tpu.memory_space<vmem>>, vector<16xf32>,
      %scan3A_459 = arith.constant 0 : i32
      scf.yield %scan3A_459 : i32
    }
    %scan3A_46 = arith.constant 64 : i32
    %get3A_47 = arith.constant 64 : index
    %get3A_48 = tpu.vector_load %arg12[%get3A_47] {strides = array<i32>} : memref<416xf32, #tpu.memory_space<vmem>>, vector<16xf32>,
    %get3A_49 = arith.constant 80 : index
    %get3A_50 = tpu.vector_load %arg12[%get3A_49] {strides = array<i32>} : memref<416xf32, #tpu.memory_space<vmem>>, vector<16xf32>,
    %get3A_51 = arith.constant 64 : index
    %get3A_52 = tpu.vector_load %arg13[%get3A_51] {strides = array<i32>} : memref<416xf32, #tpu.memory_space<vmem>>, vector<16xf32>,
    %get3A_53 = arith.constant 80 : index
    %get3A_54 = tpu.vector_load %arg13[%get3A_53] {strides = array<i32>} : memref<416xf32, #tpu.memory_space<vmem>>, vector<16xf32>,
    %scan3A_55 = arith.constant 0 : i32
    %scan3A_56 = arith.constant 0 : i32
    %scan3A_57 = arith.constant 64 : i32
    %scan3A_58 = arith.addi %scan3A_56, %scan3A_57 : i32
    %scan3A_59 = arith.constant 1 : i32
    %scan3A_60 = scf.for %scan3A_437 = %scan3A_56 to %scan3A_58 step %scan3A_59 iter_args(%scan3A_438 = %scan3A_55) -> (i32)  : i32 {
      %mul3A_439 = arith.constant 13 : i32
      %mul3A_440 = arith.muli %scan3A_437, %mul3A_439 : i32
      %add3A_441 = arith.constant 2 : i32
      %add3A_442 = arith.addi %mul3A_440, %add3A_441 : i32
      %broadcast_in_dim3A_443 = vector.broadcast %add3A_442 : i32 to vector<16xi32>
      %gather3A = tpu.vector_load_idx %arg11[%broadcast_in_dim3A_443] : memref<832xf32, #tpu.memory_space<vmem>>[vector<16xi32>], vector<16xf32>,
      %mul3A_444 = arith.constant 39 : i32
      %mul3A_445 = arith.muli %scan3A_437, %mul3A_444 : i32
      %add3A_446 = arith.constant 26 : i32
      %add3A_447 = arith.addi %mul3A_445, %add3A_446 : i32
      %add3A_448 = arith.constant 2 : i32
      %add3A_449 = arith.addi %add3A_447, %add3A_448 : i32
      %mul3A_450 = arith.mulf %gather3A, %get3A_48 : vector<16xf32>
      %add3A_451 = arith.addf %mul3A_450, %get3A_52 : vector<16xf32>
      %swap3A = arith.index_cast %add3A_449 : i32 to index
      %swap3A_452 = arith.constant 0 : index
      %swap3A_453 = tpu.vector_load %arg10[%swap3A, %swap3A_452] {strides = array<i32>} : memref<2496x32xf32, #tpu.memory_space<vmem>>, vector<16xf32>,
      tpu.vector_store %arg10[%swap3A, %swap3A_452], %add3A_451 {strides = array<i32>} : memref<2496x32xf32, #tpu.memory_space<vmem>>, vector<16xf32>,
      %mul3A_454 = arith.mulf %gather3A, %get3A_50 : vector<16xf32>
      %add3A_455 = arith.addf %mul3A_454, %get3A_54 : vector<16xf32>
      %swap3A_456 = arith.index_cast %add3A_449 : i32 to index
      %swap3A_457 = arith.constant 16 : index
      %swap3A_458 = tpu.vector_load %arg10[%swap3A_456, %swap3A_457] {strides = array<i32>} : memref<2496x32xf32, #tpu.memory_space<vmem>>, vector<16xf32>,
      tpu.vector_store %arg10[%swap3A_456, %swap3A_457], %add3A_455 {strides = array<i32>} : memref<2496x32xf32, #tpu.memory_space<vmem>>, vector<16xf32>,
      %scan3A_459 = arith.constant 0 : i32
      scf.yield %scan3A_459 : i32
    }
    %scan3A_61 = arith.constant 64 : i32
    %get3A_62 = arith.constant 96 : index
    %get3A_63 = tpu.vector_load %arg12[%get3A_62] {strides = array<i32>} : memref<416xf32, #tpu.memory_space<vmem>>, vector<16xf32>,
    %get3A_64 = arith.constant 112 : index
    %get3A_65 = tpu.vector_load %arg12[%get3A_64] {strides = array<i32>} : memref<416xf32, #tpu.memory_space<vmem>>, vector<16xf32>,
    %get3A_66 = arith.constant 96 : index
    %get3A_67 = tpu.vector_load %arg13[%get3A_66] {strides = array<i32>} : memref<416xf32, #tpu.memory_space<vmem>>, vector<16xf32>,
    %get3A_68 = arith.constant 112 : index
    %get3A_69 = tpu.vector_load %arg13[%get3A_68] {strides = array<i32>} : memref<416xf32, #tpu.memory_space<vmem>>, vector<16xf32>,
    %scan3A_70 = arith.constant 0 : i32
    %scan3A_71 = arith.constant 0 : i32
    %scan3A_72 = arith.constant 64 : i32
    %scan3A_73 = arith.addi %scan3A_71, %scan3A_72 : i32
    %scan3A_74 = arith.constant 1 : i32
    %scan3A_75 = scf.for %scan3A_437 = %scan3A_71 to %scan3A_73 step %scan3A_74 iter_args(%scan3A_438 = %scan3A_70) -> (i32)  : i32 {
      %mul3A_439 = arith.constant 13 : i32
      %mul3A_440 = arith.muli %scan3A_437, %mul3A_439 : i32
      %add3A_441 = arith.constant 3 : i32
      %add3A_442 = arith.addi %mul3A_440, %add3A_441 : i32
      %broadcast_in_dim3A_443 = vector.broadcast %add3A_442 : i32 to vector<16xi32>
      %gather3A = tpu.vector_load_idx %arg11[%broadcast_in_dim3A_443] : memref<832xf32, #tpu.memory_space<vmem>>[vector<16xi32>], vector<16xf32>,
      %mul3A_444 = arith.constant 39 : i32
      %mul3A_445 = arith.muli %scan3A_437, %mul3A_444 : i32
      %add3A_446 = arith.constant 26 : i32
      %add3A_447 = arith.addi %mul3A_445, %add3A_446 : i32
      %add3A_448 = arith.constant 3 : i32
      %add3A_449 = arith.addi %add3A_447, %add3A_448 : i32
      %mul3A_450 = arith.mulf %gather3A, %get3A_63 : vector<16xf32>
      %add3A_451 = arith.addf %mul3A_450, %get3A_67 : vector<16xf32>
      %swap3A = arith.index_cast %add3A_449 : i32 to index
      %swap3A_452 = arith.constant 0 : index
      %swap3A_453 = tpu.vector_load %arg10[%swap3A, %swap3A_452] {strides = array<i32>} : memref<2496x32xf32, #tpu.memory_space<vmem>>, vector<16xf32>,
      tpu.vector_store %arg10[%swap3A, %swap3A_452], %add3A_451 {strides = array<i32>} : memref<2496x32xf32, #tpu.memory_space<vmem>>, vector<16xf32>,
      %mul3A_454 = arith.mulf %gather3A, %get3A_65 : vector<16xf32>
      %add3A_455 = arith.addf %mul3A_454, %get3A_69 : vector<16xf32>
      %swap3A_456 = arith.index_cast %add3A_449 : i32 to index
      %swap3A_457 = arith.constant 16 : index
      %swap3A_458 = tpu.vector_load %arg10[%swap3A_456, %swap3A_457] {strides = array<i32>} : memref<2496x32xf32, #tpu.memory_space<vmem>>, vector<16xf32>,
      tpu.vector_store %arg10[%swap3A_456, %swap3A_457], %add3A_455 {strides = array<i32>} : memref<2496x32xf32, #tpu.memory_space<vmem>>, vector<16xf32>,
      %scan3A_459 = arith.constant 0 : i32
      scf.yield %scan3A_459 : i32
    }
    %scan3A_76 = arith.constant 64 : i32
    %get3A_77 = arith.constant 128 : index
    %get3A_78 = tpu.vector_load %arg12[%get3A_77] {strides = array<i32>} : memref<416xf32, #tpu.memory_space<vmem>>, vector<16xf32>,
    %get3A_79 = arith.constant 144 : index
    %get3A_80 = tpu.vector_load %arg12[%get3A_79] {strides = array<i32>} : memref<416xf32, #tpu.memory_space<vmem>>, vector<16xf32>,
    %get3A_81 = arith.constant 128 : index
    %get3A_82 = tpu.vector_load %arg13[%get3A_81] {strides = array<i32>} : memref<416xf32, #tpu.memory_space<vmem>>, vector<16xf32>,
    %get3A_83 = arith.constant 144 : index
    %get3A_84 = tpu.vector_load %arg13[%get3A_83] {strides = array<i32>} : memref<416xf32, #tpu.memory_space<vmem>>, vector<16xf32>,
    %scan3A_85 = arith.constant 0 : i32
    %scan3A_86 = arith.constant 0 : i32
    %scan3A_87 = arith.constant 64 : i32
    %scan3A_88 = arith.addi %scan3A_86, %scan3A_87 : i32
    %scan3A_89 = arith.constant 1 : i32
    %scan3A_90 = scf.for %scan3A_437 = %scan3A_86 to %scan3A_88 step %scan3A_89 iter_args(%scan3A_438 = %scan3A_85) -> (i32)  : i32 {
      %mul3A_439 = arith.constant 13 : i32
      %mul3A_440 = arith.muli %scan3A_437, %mul3A_439 : i32
      %add3A_441 = arith.constant 4 : i32
      %add3A_442 = arith.addi %mul3A_440, %add3A_441 : i32
      %broadcast_in_dim3A_443 = vector.broadcast %add3A_442 : i32 to vector<16xi32>
      %gather3A = tpu.vector_load_idx %arg11[%broadcast_in_dim3A_443] : memref<832xf32, #tpu.memory_space<vmem>>[vector<16xi32>], vector<16xf32>,
      %mul3A_444 = arith.constant 39 : i32
      %mul3A_445 = arith.muli %scan3A_437, %mul3A_444 : i32
      %add3A_446 = arith.constant 26 : i32
      %add3A_447 = arith.addi %mul3A_445, %add3A_446 : i32
      %add3A_448 = arith.constant 4 : i32
      %add3A_449 = arith.addi %add3A_447, %add3A_448 : i32
      %mul3A_450 = arith.mulf %gather3A, %get3A_78 : vector<16xf32>
      %add3A_451 = arith.addf %mul3A_450, %get3A_82 : vector<16xf32>
      %swap3A = arith.index_cast %add3A_449 : i32 to index
      %swap3A_452 = arith.constant 0 : index
      %swap3A_453 = tpu.vector_load %arg10[%swap3A, %swap3A_452] {strides = array<i32>} : memref<2496x32xf32, #tpu.memory_space<vmem>>, vector<16xf32>,
      tpu.vector_store %arg10[%swap3A, %swap3A_452], %add3A_451 {strides = array<i32>} : memref<2496x32xf32, #tpu.memory_space<vmem>>, vector<16xf32>,
      %mul3A_454 = arith.mulf %gather3A, %get3A_80 : vector<16xf32>
      %add3A_455 = arith.addf %mul3A_454, %get3A_84 : vector<16xf32>
      %swap3A_456 = arith.index_cast %add3A_449 : i32 to index
      %swap3A_457 = arith.constant 16 : index
      %swap3A_458 = tpu.vector_load %arg10[%swap3A_456, %swap3A_457] {strides = array<i32>} : memref<2496x32xf32, #tpu.memory_space<vmem>>, vector<16xf32>,
      tpu.vector_store %arg10[%swap3A_456, %swap3A_457], %add3A_455 {strides = array<i32>} : memref<2496x32xf32, #tpu.memory_space<vmem>>, vector<16xf32>,
      %scan3A_459 = arith.constant 0 : i32
      scf.yield %scan3A_459 : i32
    }
    %scan3A_91 = arith.constant 64 : i32
    %get3A_92 = arith.constant 160 : index
    %get3A_93 = tpu.vector_load %arg12[%get3A_92] {strides = array<i32>} : memref<416xf32, #tpu.memory_space<vmem>>, vector<16xf32>,
    %get3A_94 = arith.constant 176 : index
    %get3A_95 = tpu.vector_load %arg12[%get3A_94] {strides = array<i32>} : memref<416xf32, #tpu.memory_space<vmem>>, vector<16xf32>,
    %get3A_96 = arith.constant 160 : index
    %get3A_97 = tpu.vector_load %arg13[%get3A_96] {strides = array<i32>} : memref<416xf32, #tpu.memory_space<vmem>>, vector<16xf32>,
    %get3A_98 = arith.constant 176 : index
    %get3A_99 = tpu.vector_load %arg13[%get3A_98] {strides = array<i32>} : memref<416xf32, #tpu.memory_space<vmem>>, vector<16xf32>,
    %scan3A_100 = arith.constant 0 : i32
    %scan3A_101 = arith.constant 0 : i32
    %scan3A_102 = arith.constant 64 : i32
    %scan3A_103 = arith.addi %scan3A_101, %scan3A_102 : i32
    %scan3A_104 = arith.constant 1 : i32
    %scan3A_105 = scf.for %scan3A_437 = %scan3A_101 to %scan3A_103 step %scan3A_104 iter_args(%scan3A_438 = %scan3A_100) -> (i32)  : i32 {
      %mul3A_439 = arith.constant 13 : i32
      %mul3A_440 = arith.muli %scan3A_437, %mul3A_439 : i32
      %add3A_441 = arith.constant 5 : i32
      %add3A_442 = arith.addi %mul3A_440, %add3A_441 : i32
      %broadcast_in_dim3A_443 = vector.broadcast %add3A_442 : i32 to vector<16xi32>
      %gather3A = tpu.vector_load_idx %arg11[%broadcast_in_dim3A_443] : memref<832xf32, #tpu.memory_space<vmem>>[vector<16xi32>], vector<16xf32>,
      %mul3A_444 = arith.constant 39 : i32
      %mul3A_445 = arith.muli %scan3A_437, %mul3A_444 : i32
      %add3A_446 = arith.constant 26 : i32
      %add3A_447 = arith.addi %mul3A_445, %add3A_446 : i32
      %add3A_448 = arith.constant 5 : i32
      %add3A_449 = arith.addi %add3A_447, %add3A_448 : i32
      %mul3A_450 = arith.mulf %gather3A, %get3A_93 : vector<16xf32>
      %add3A_451 = arith.addf %mul3A_450, %get3A_97 : vector<16xf32>
      %swap3A = arith.index_cast %add3A_449 : i32 to index
      %swap3A_452 = arith.constant 0 : index
      %swap3A_453 = tpu.vector_load %arg10[%swap3A, %swap3A_452] {strides = array<i32>} : memref<2496x32xf32, #tpu.memory_space<vmem>>, vector<16xf32>,
      tpu.vector_store %arg10[%swap3A, %swap3A_452], %add3A_451 {strides = array<i32>} : memref<2496x32xf32, #tpu.memory_space<vmem>>, vector<16xf32>,
      %mul3A_454 = arith.mulf %gather3A, %get3A_95 : vector<16xf32>
      %add3A_455 = arith.addf %mul3A_454, %get3A_99 : vector<16xf32>
      %swap3A_456 = arith.index_cast %add3A_449 : i32 to index
      %swap3A_457 = arith.constant 16 : index
      %swap3A_458 = tpu.vector_load %arg10[%swap3A_456, %swap3A_457] {strides = array<i32>} : memref<2496x32xf32, #tpu.memory_space<vmem>>, vector<16xf32>,
      tpu.vector_store %arg10[%swap3A_456, %swap3A_457], %add3A_455 {strides = array<i32>} : memref<2496x32xf32, #tpu.memory_space<vmem>>, vector<16xf32>,
      %scan3A_459 = arith.constant 0 : i32
      scf.yield %scan3A_459 : i32
    }
    %scan3A_106 = arith.constant 64 : i32
    %get3A_107 = arith.constant 192 : index
    %get3A_108 = tpu.vector_load %arg12[%get3A_107] {strides = array<i32>} : memref<416xf32, #tpu.memory_space<vmem>>, vector<16xf32>,
    %get3A_109 = arith.constant 208 : index
    %get3A_110 = tpu.vector_load %arg12[%get3A_109] {strides = array<i32>} : memref<416xf32, #tpu.memory_space<vmem>>, vector<16xf32>,
    %get3A_111 = arith.constant 192 : index
    %get3A_112 = tpu.vector_load %arg13[%get3A_111] {strides = array<i32>} : memref<416xf32, #tpu.memory_space<vmem>>, vector<16xf32>,
    %get3A_113 = arith.constant 208 : index
    %get3A_114 = tpu.vector_load %arg13[%get3A_113] {strides = array<i32>} : memref<416xf32, #tpu.memory_space<vmem>>, vector<16xf32>,
    %scan3A_115 = arith.constant 0 : i32
    %scan3A_116 = arith.constant 0 : i32
    %scan3A_117 = arith.constant 64 : i32
    %scan3A_118 = arith.addi %scan3A_116, %scan3A_117 : i32
    %scan3A_119 = arith.constant 1 : i32
    %scan3A_120 = scf.for %scan3A_437 = %scan3A_116 to %scan3A_118 step %scan3A_119 iter_args(%scan3A_438 = %scan3A_115) -> (i32)  : i32 {
      %mul3A_439 = arith.constant 13 : i32
      %mul3A_440 = arith.muli %scan3A_437, %mul3A_439 : i32
      %add3A_441 = arith.constant 6 : i32
      %add3A_442 = arith.addi %mul3A_440, %add3A_441 : i32
      %broadcast_in_dim3A_443 = vector.broadcast %add3A_442 : i32 to vector<16xi32>
      %gather3A = tpu.vector_load_idx %arg11[%broadcast_in_dim3A_443] : memref<832xf32, #tpu.memory_space<vmem>>[vector<16xi32>], vector<16xf32>,
      %mul3A_444 = arith.constant 39 : i32
      %mul3A_445 = arith.muli %scan3A_437, %mul3A_444 : i32
      %add3A_446 = arith.constant 26 : i32
      %add3A_447 = arith.addi %mul3A_445, %add3A_446 : i32
      %add3A_448 = arith.constant 6 : i32
      %add3A_449 = arith.addi %add3A_447, %add3A_448 : i32
      %mul3A_450 = arith.mulf %gather3A, %get3A_108 : vector<16xf32>
      %add3A_451 = arith.addf %mul3A_450, %get3A_112 : vector<16xf32>
      %swap3A = arith.index_cast %add3A_449 : i32 to index
      %swap3A_452 = arith.constant 0 : index
      %swap3A_453 = tpu.vector_load %arg10[%swap3A, %swap3A_452] {strides = array<i32>} : memref<2496x32xf32, #tpu.memory_space<vmem>>, vector<16xf32>,
      tpu.vector_store %arg10[%swap3A, %swap3A_452], %add3A_451 {strides = array<i32>} : memref<2496x32xf32, #tpu.memory_space<vmem>>, vector<16xf32>,
      %mul3A_454 = arith.mulf %gather3A, %get3A_110 : vector<16xf32>
      %add3A_455 = arith.addf %mul3A_454, %get3A_114 : vector<16xf32>
      %swap3A_456 = arith.index_cast %add3A_449 : i32 to index
      %swap3A_457 = arith.constant 16 : index
      %swap3A_458 = tpu.vector_load %arg10[%swap3A_456, %swap3A_457] {strides = array<i32>} : memref<2496x32xf32, #tpu.memory_space<vmem>>, vector<16xf32>,
      tpu.vector_store %arg10[%swap3A_456, %swap3A_457], %add3A_455 {strides = array<i32>} : memref<2496x32xf32, #tpu.memory_space<vmem>>, vector<16xf32>,
      %scan3A_459 = arith.constant 0 : i32
      scf.yield %scan3A_459 : i32
    }
    %scan3A_121 = arith.constant 64 : i32
    %get3A_122 = arith.constant 224 : index
    %get3A_123 = tpu.vector_load %arg12[%get3A_122] {strides = array<i32>} : memref<416xf32, #tpu.memory_space<vmem>>, vector<16xf32>,
    %get3A_124 = arith.constant 240 : index
    %get3A_125 = tpu.vector_load %arg12[%get3A_124] {strides = array<i32>} : memref<416xf32, #tpu.memory_space<vmem>>, vector<16xf32>,
    %get3A_126 = arith.constant 224 : index
    %get3A_127 = tpu.vector_load %arg13[%get3A_126] {strides = array<i32>} : memref<416xf32, #tpu.memory_space<vmem>>, vector<16xf32>,
    %get3A_128 = arith.constant 240 : index
    %get3A_129 = tpu.vector_load %arg13[%get3A_128] {strides = array<i32>} : memref<416xf32, #tpu.memory_space<vmem>>, vector<16xf32>,
    %scan3A_130 = arith.constant 0 : i32
    %scan3A_131 = arith.constant 0 : i32
    %scan3A_132 = arith.constant 64 : i32
    %scan3A_133 = arith.addi %scan3A_131, %scan3A_132 : i32
    %scan3A_134 = arith.constant 1 : i32
    %scan3A_135 = scf.for %scan3A_437 = %scan3A_131 to %scan3A_133 step %scan3A_134 iter_args(%scan3A_438 = %scan3A_130) -> (i32)  : i32 {
      %mul3A_439 = arith.constant 13 : i32
      %mul3A_440 = arith.muli %scan3A_437, %mul3A_439 : i32
      %add3A_441 = arith.constant 7 : i32
      %add3A_442 = arith.addi %mul3A_440, %add3A_441 : i32
      %broadcast_in_dim3A_443 = vector.broadcast %add3A_442 : i32 to vector<16xi32>
      %gather3A = tpu.vector_load_idx %arg11[%broadcast_in_dim3A_443] : memref<832xf32, #tpu.memory_space<vmem>>[vector<16xi32>], vector<16xf32>,
      %mul3A_444 = arith.constant 39 : i32
      %mul3A_445 = arith.muli %scan3A_437, %mul3A_444 : i32
      %add3A_446 = arith.constant 26 : i32
      %add3A_447 = arith.addi %mul3A_445, %add3A_446 : i32
      %add3A_448 = arith.constant 7 : i32
      %add3A_449 = arith.addi %add3A_447, %add3A_448 : i32
      %mul3A_450 = arith.mulf %gather3A, %get3A_123 : vector<16xf32>
      %add3A_451 = arith.addf %mul3A_450, %get3A_127 : vector<16xf32>
      %swap3A = arith.index_cast %add3A_449 : i32 to index
      %swap3A_452 = arith.constant 0 : index
      %swap3A_453 = tpu.vector_load %arg10[%swap3A, %swap3A_452] {strides = array<i32>} : memref<2496x32xf32, #tpu.memory_space<vmem>>, vector<16xf32>,
      tpu.vector_store %arg10[%swap3A, %swap3A_452], %add3A_451 {strides = array<i32>} : memref<2496x32xf32, #tpu.memory_space<vmem>>, vector<16xf32>,
      %mul3A_454 = arith.mulf %gather3A, %get3A_125 : vector<16xf32>
      %add3A_455 = arith.addf %mul3A_454, %get3A_129 : vector<16xf32>
      %swap3A_456 = arith.index_cast %add3A_449 : i32 to index
      %swap3A_457 = arith.constant 16 : index
      %swap3A_458 = tpu.vector_load %arg10[%swap3A_456, %swap3A_457] {strides = array<i32>} : memref<2496x32xf32, #tpu.memory_space<vmem>>, vector<16xf32>,
      tpu.vector_store %arg10[%swap3A_456, %swap3A_457], %add3A_455 {strides = array<i32>} : memref<2496x32xf32, #tpu.memory_space<vmem>>, vector<16xf32>,
      %scan3A_459 = arith.constant 0 : i32
      scf.yield %scan3A_459 : i32
    }
    %scan3A_136 = arith.constant 64 : i32
    %get3A_137 = arith.constant 256 : index
    %get3A_138 = tpu.vector_load %arg12[%get3A_137] {strides = array<i32>} : memref<416xf32, #tpu.memory_space<vmem>>, vector<16xf32>,
    %get3A_139 = arith.constant 272 : index
    %get3A_140 = tpu.vector_load %arg12[%get3A_139] {strides = array<i32>} : memref<416xf32, #tpu.memory_space<vmem>>, vector<16xf32>,
    %get3A_141 = arith.constant 256 : index
    %get3A_142 = tpu.vector_load %arg13[%get3A_141] {strides = array<i32>} : memref<416xf32, #tpu.memory_space<vmem>>, vector<16xf32>,
    %get3A_143 = arith.constant 272 : index
    %get3A_144 = tpu.vector_load %arg13[%get3A_143] {strides = array<i32>} : memref<416xf32, #tpu.memory_space<vmem>>, vector<16xf32>,
    %scan3A_145 = arith.constant 0 : i32
    %scan3A_146 = arith.constant 0 : i32
    %scan3A_147 = arith.constant 64 : i32
    %scan3A_148 = arith.addi %scan3A_146, %scan3A_147 : i32
    %scan3A_149 = arith.constant 1 : i32
    %scan3A_150 = scf.for %scan3A_437 = %scan3A_146 to %scan3A_148 step %scan3A_149 iter_args(%scan3A_438 = %scan3A_145) -> (i32)  : i32 {
      %mul3A_439 = arith.constant 13 : i32
      %mul3A_440 = arith.muli %scan3A_437, %mul3A_439 : i32
      %add3A_441 = arith.constant 8 : i32
      %add3A_442 = arith.addi %mul3A_440, %add3A_441 : i32
      %broadcast_in_dim3A_443 = vector.broadcast %add3A_442 : i32 to vector<16xi32>
      %gather3A = tpu.vector_load_idx %arg11[%broadcast_in_dim3A_443] : memref<832xf32, #tpu.memory_space<vmem>>[vector<16xi32>], vector<16xf32>,
      %mul3A_444 = arith.constant 39 : i32
      %mul3A_445 = arith.muli %scan3A_437, %mul3A_444 : i32
      %add3A_446 = arith.constant 26 : i32
      %add3A_447 = arith.addi %mul3A_445, %add3A_446 : i32
      %add3A_448 = arith.constant 8 : i32
      %add3A_449 = arith.addi %add3A_447, %add3A_448 : i32
      %mul3A_450 = arith.mulf %gather3A, %get3A_138 : vector<16xf32>
      %add3A_451 = arith.addf %mul3A_450, %get3A_142 : vector<16xf32>
      %swap3A = arith.index_cast %add3A_449 : i32 to index
      %swap3A_452 = arith.constant 0 : index
      %swap3A_453 = tpu.vector_load %arg10[%swap3A, %swap3A_452] {strides = array<i32>} : memref<2496x32xf32, #tpu.memory_space<vmem>>, vector<16xf32>,
      tpu.vector_store %arg10[%swap3A, %swap3A_452], %add3A_451 {strides = array<i32>} : memref<2496x32xf32, #tpu.memory_space<vmem>>, vector<16xf32>,
      %mul3A_454 = arith.mulf %gather3A, %get3A_140 : vector<16xf32>
      %add3A_455 = arith.addf %mul3A_454, %get3A_144 : vector<16xf32>
      %swap3A_456 = arith.index_cast %add3A_449 : i32 to index
      %swap3A_457 = arith.constant 16 : index
      %swap3A_458 = tpu.vector_load %arg10[%swap3A_456, %swap3A_457] {strides = array<i32>} : memref<2496x32xf32, #tpu.memory_space<vmem>>, vector<16xf32>,
      tpu.vector_store %arg10[%swap3A_456, %swap3A_457], %add3A_455 {strides = array<i32>} : memref<2496x32xf32, #tpu.memory_space<vmem>>, vector<16xf32>,
      %scan3A_459 = arith.constant 0 : i32
      scf.yield %scan3A_459 : i32
    }
    %scan3A_151 = arith.constant 64 : i32
    %get3A_152 = arith.constant 288 : index
    %get3A_153 = tpu.vector_load %arg12[%get3A_152] {strides = array<i32>} : memref<416xf32, #tpu.memory_space<vmem>>, vector<16xf32>,
    %get3A_154 = arith.constant 304 : index
    %get3A_155 = tpu.vector_load %arg12[%get3A_154] {strides = array<i32>} : memref<416xf32, #tpu.memory_space<vmem>>, vector<16xf32>,
    %get3A_156 = arith.constant 288 : index
    %get3A_157 = tpu.vector_load %arg13[%get3A_156] {strides = array<i32>} : memref<416xf32, #tpu.memory_space<vmem>>, vector<16xf32>,
    %get3A_158 = arith.constant 304 : index
    %get3A_159 = tpu.vector_load %arg13[%get3A_158] {strides = array<i32>} : memref<416xf32, #tpu.memory_space<vmem>>, vector<16xf32>,
    %scan3A_160 = arith.constant 0 : i32
    %scan3A_161 = arith.constant 0 : i32
    %scan3A_162 = arith.constant 64 : i32
    %scan3A_163 = arith.addi %scan3A_161, %scan3A_162 : i32
    %scan3A_164 = arith.constant 1 : i32
    %scan3A_165 = scf.for %scan3A_437 = %scan3A_161 to %scan3A_163 step %scan3A_164 iter_args(%scan3A_438 = %scan3A_160) -> (i32)  : i32 {
      %mul3A_439 = arith.constant 13 : i32
      %mul3A_440 = arith.muli %scan3A_437, %mul3A_439 : i32
      %add3A_441 = arith.constant 9 : i32
      %add3A_442 = arith.addi %mul3A_440, %add3A_441 : i32
      %broadcast_in_dim3A_443 = vector.broadcast %add3A_442 : i32 to vector<16xi32>
      %gather3A = tpu.vector_load_idx %arg11[%broadcast_in_dim3A_443] : memref<832xf32, #tpu.memory_space<vmem>>[vector<16xi32>], vector<16xf32>,
      %mul3A_444 = arith.constant 39 : i32
      %mul3A_445 = arith.muli %scan3A_437, %mul3A_444 : i32
      %add3A_446 = arith.constant 26 : i32
      %add3A_447 = arith.addi %mul3A_445, %add3A_446 : i32
      %add3A_448 = arith.constant 9 : i32
      %add3A_449 = arith.addi %add3A_447, %add3A_448 : i32
      %mul3A_450 = arith.mulf %gather3A, %get3A_153 : vector<16xf32>
      %add3A_451 = arith.addf %mul3A_450, %get3A_157 : vector<16xf32>
      %swap3A = arith.index_cast %add3A_449 : i32 to index
      %swap3A_452 = arith.constant 0 : index
      %swap3A_453 = tpu.vector_load %arg10[%swap3A, %swap3A_452] {strides = array<i32>} : memref<2496x32xf32, #tpu.memory_space<vmem>>, vector<16xf32>,
      tpu.vector_store %arg10[%swap3A, %swap3A_452], %add3A_451 {strides = array<i32>} : memref<2496x32xf32, #tpu.memory_space<vmem>>, vector<16xf32>,
      %mul3A_454 = arith.mulf %gather3A, %get3A_155 : vector<16xf32>
      %add3A_455 = arith.addf %mul3A_454, %get3A_159 : vector<16xf32>
      %swap3A_456 = arith.index_cast %add3A_449 : i32 to index
      %swap3A_457 = arith.constant 16 : index
      %swap3A_458 = tpu.vector_load %arg10[%swap3A_456, %swap3A_457] {strides = array<i32>} : memref<2496x32xf32, #tpu.memory_space<vmem>>, vector<16xf32>,
      tpu.vector_store %arg10[%swap3A_456, %swap3A_457], %add3A_455 {strides = array<i32>} : memref<2496x32xf32, #tpu.memory_space<vmem>>, vector<16xf32>,
      %scan3A_459 = arith.constant 0 : i32
      scf.yield %scan3A_459 : i32
    }
    %scan3A_166 = arith.constant 64 : i32
    %get3A_167 = arith.constant 320 : index
    %get3A_168 = tpu.vector_load %arg12[%get3A_167] {strides = array<i32>} : memref<416xf32, #tpu.memory_space<vmem>>, vector<16xf32>,
    %get3A_169 = arith.constant 336 : index
    %get3A_170 = tpu.vector_load %arg12[%get3A_169] {strides = array<i32>} : memref<416xf32, #tpu.memory_space<vmem>>, vector<16xf32>,
    %get3A_171 = arith.constant 320 : index
    %get3A_172 = tpu.vector_load %arg13[%get3A_171] {strides = array<i32>} : memref<416xf32, #tpu.memory_space<vmem>>, vector<16xf32>,
    %get3A_173 = arith.constant 336 : index
    %get3A_174 = tpu.vector_load %arg13[%get3A_173] {strides = array<i32>} : memref<416xf32, #tpu.memory_space<vmem>>, vector<16xf32>,
    %scan3A_175 = arith.constant 0 : i32
    %scan3A_176 = arith.constant 0 : i32
    %scan3A_177 = arith.constant 64 : i32
    %scan3A_178 = arith.addi %scan3A_176, %scan3A_177 : i32
    %scan3A_179 = arith.constant 1 : i32
    %scan3A_180 = scf.for %scan3A_437 = %scan3A_176 to %scan3A_178 step %scan3A_179 iter_args(%scan3A_438 = %scan3A_175) -> (i32)  : i32 {
      %mul3A_439 = arith.constant 13 : i32
      %mul3A_440 = arith.muli %scan3A_437, %mul3A_439 : i32
      %add3A_441 = arith.constant 10 : i32
      %add3A_442 = arith.addi %mul3A_440, %add3A_441 : i32
      %broadcast_in_dim3A_443 = vector.broadcast %add3A_442 : i32 to vector<16xi32>
      %gather3A = tpu.vector_load_idx %arg11[%broadcast_in_dim3A_443] : memref<832xf32, #tpu.memory_space<vmem>>[vector<16xi32>], vector<16xf32>,
      %mul3A_444 = arith.constant 39 : i32
      %mul3A_445 = arith.muli %scan3A_437, %mul3A_444 : i32
      %add3A_446 = arith.constant 26 : i32
      %add3A_447 = arith.addi %mul3A_445, %add3A_446 : i32
      %add3A_448 = arith.constant 10 : i32
      %add3A_449 = arith.addi %add3A_447, %add3A_448 : i32
      %mul3A_450 = arith.mulf %gather3A, %get3A_168 : vector<16xf32>
      %add3A_451 = arith.addf %mul3A_450, %get3A_172 : vector<16xf32>
      %swap3A = arith.index_cast %add3A_449 : i32 to index
      %swap3A_452 = arith.constant 0 : index
      %swap3A_453 = tpu.vector_load %arg10[%swap3A, %swap3A_452] {strides = array<i32>} : memref<2496x32xf32, #tpu.memory_space<vmem>>, vector<16xf32>,
      tpu.vector_store %arg10[%swap3A, %swap3A_452], %add3A_451 {strides = array<i32>} : memref<2496x32xf32, #tpu.memory_space<vmem>>, vector<16xf32>,
      %mul3A_454 = arith.mulf %gather3A, %get3A_170 : vector<16xf32>
      %add3A_455 = arith.addf %mul3A_454, %get3A_174 : vector<16xf32>
      %swap3A_456 = arith.index_cast %add3A_449 : i32 to index
      %swap3A_457 = arith.constant 16 : index
      %swap3A_458 = tpu.vector_load %arg10[%swap3A_456, %swap3A_457] {strides = array<i32>} : memref<2496x32xf32, #tpu.memory_space<vmem>>, vector<16xf32>,
      tpu.vector_store %arg10[%swap3A_456, %swap3A_457], %add3A_455 {strides = array<i32>} : memref<2496x32xf32, #tpu.memory_space<vmem>>, vector<16xf32>,
      %scan3A_459 = arith.constant 0 : i32
      scf.yield %scan3A_459 : i32
    }
    %scan3A_181 = arith.constant 64 : i32
    %get3A_182 = arith.constant 352 : index
    %get3A_183 = tpu.vector_load %arg12[%get3A_182] {strides = array<i32>} : memref<416xf32, #tpu.memory_space<vmem>>, vector<16xf32>,
    %get3A_184 = arith.constant 368 : index
    %get3A_185 = tpu.vector_load %arg12[%get3A_184] {strides = array<i32>} : memref<416xf32, #tpu.memory_space<vmem>>, vector<16xf32>,
    %get3A_186 = arith.constant 352 : index
    %get3A_187 = tpu.vector_load %arg13[%get3A_186] {strides = array<i32>} : memref<416xf32, #tpu.memory_space<vmem>>, vector<16xf32>,
    %get3A_188 = arith.constant 368 : index
    %get3A_189 = tpu.vector_load %arg13[%get3A_188] {strides = array<i32>} : memref<416xf32, #tpu.memory_space<vmem>>, vector<16xf32>,
    %scan3A_190 = arith.constant 0 : i32
    %scan3A_191 = arith.constant 0 : i32
    %scan3A_192 = arith.constant 64 : i32
    %scan3A_193 = arith.addi %scan3A_191, %scan3A_192 : i32
    %scan3A_194 = arith.constant 1 : i32
    %scan3A_195 = scf.for %scan3A_437 = %scan3A_191 to %scan3A_193 step %scan3A_194 iter_args(%scan3A_438 = %scan3A_190) -> (i32)  : i32 {
      %mul3A_439 = arith.constant 13 : i32
      %mul3A_440 = arith.muli %scan3A_437, %mul3A_439 : i32
      %add3A_441 = arith.constant 11 : i32
      %add3A_442 = arith.addi %mul3A_440, %add3A_441 : i32
      %broadcast_in_dim3A_443 = vector.broadcast %add3A_442 : i32 to vector<16xi32>
      %gather3A = tpu.vector_load_idx %arg11[%broadcast_in_dim3A_443] : memref<832xf32, #tpu.memory_space<vmem>>[vector<16xi32>], vector<16xf32>,
      %mul3A_444 = arith.constant 39 : i32
      %mul3A_445 = arith.muli %scan3A_437, %mul3A_444 : i32
      %add3A_446 = arith.constant 26 : i32
      %add3A_447 = arith.addi %mul3A_445, %add3A_446 : i32
      %add3A_448 = arith.constant 11 : i32
      %add3A_449 = arith.addi %add3A_447, %add3A_448 : i32
      %mul3A_450 = arith.mulf %gather3A, %get3A_183 : vector<16xf32>
      %add3A_451 = arith.addf %mul3A_450, %get3A_187 : vector<16xf32>
      %swap3A = arith.index_cast %add3A_449 : i32 to index
      %swap3A_452 = arith.constant 0 : index
      %swap3A_453 = tpu.vector_load %arg10[%swap3A, %swap3A_452] {strides = array<i32>} : memref<2496x32xf32, #tpu.memory_space<vmem>>, vector<16xf32>,
      tpu.vector_store %arg10[%swap3A, %swap3A_452], %add3A_451 {strides = array<i32>} : memref<2496x32xf32, #tpu.memory_space<vmem>>, vector<16xf32>,
      %mul3A_454 = arith.mulf %gather3A, %get3A_185 : vector<16xf32>
      %add3A_455 = arith.addf %mul3A_454, %get3A_189 : vector<16xf32>
      %swap3A_456 = arith.index_cast %add3A_449 : i32 to index
      %swap3A_457 = arith.constant 16 : index
      %swap3A_458 = tpu.vector_load %arg10[%swap3A_456, %swap3A_457] {strides = array<i32>} : memref<2496x32xf32, #tpu.memory_space<vmem>>, vector<16xf32>,
      tpu.vector_store %arg10[%swap3A_456, %swap3A_457], %add3A_455 {strides = array<i32>} : memref<2496x32xf32, #tpu.memory_space<vmem>>, vector<16xf32>,
      %scan3A_459 = arith.constant 0 : i32
      scf.yield %scan3A_459 : i32
    }
    %scan3A_196 = arith.constant 64 : i32
    %get3A_197 = arith.constant 384 : index
    %get3A_198 = tpu.vector_load %arg12[%get3A_197] {strides = array<i32>} : memref<416xf32, #tpu.memory_space<vmem>>, vector<16xf32>,
    %get3A_199 = arith.constant 400 : index
    %get3A_200 = tpu.vector_load %arg12[%get3A_199] {strides = array<i32>} : memref<416xf32, #tpu.memory_space<vmem>>, vector<16xf32>,
    %get3A_201 = arith.constant 384 : index
    %get3A_202 = tpu.vector_load %arg13[%get3A_201] {strides = array<i32>} : memref<416xf32, #tpu.memory_space<vmem>>, vector<16xf32>,
    %get3A_203 = arith.constant 400 : index
    %get3A_204 = tpu.vector_load %arg13[%get3A_203] {strides = array<i32>} : memref<416xf32, #tpu.memory_space<vmem>>, vector<16xf32>,
    %scan3A_205 = arith.constant 0 : i32
    %scan3A_206 = arith.constant 0 : i32
    %scan3A_207 = arith.constant 64 : i32
    %scan3A_208 = arith.addi %scan3A_206, %scan3A_207 : i32
    %scan3A_209 = arith.constant 1 : i32
    %scan3A_210 = scf.for %scan3A_437 = %scan3A_206 to %scan3A_208 step %scan3A_209 iter_args(%scan3A_438 = %scan3A_205) -> (i32)  : i32 {
      %mul3A_439 = arith.constant 13 : i32
      %mul3A_440 = arith.muli %scan3A_437, %mul3A_439 : i32
      %add3A_441 = arith.constant 12 : i32
      %add3A_442 = arith.addi %mul3A_440, %add3A_441 : i32
      %broadcast_in_dim3A_443 = vector.broadcast %add3A_442 : i32 to vector<16xi32>
      %gather3A = tpu.vector_load_idx %arg11[%broadcast_in_dim3A_443] : memref<832xf32, #tpu.memory_space<vmem>>[vector<16xi32>], vector<16xf32>,
      %mul3A_444 = arith.constant 39 : i32
      %mul3A_445 = arith.muli %scan3A_437, %mul3A_444 : i32
      %add3A_446 = arith.constant 26 : i32
      %add3A_447 = arith.addi %mul3A_445, %add3A_446 : i32
      %add3A_448 = arith.constant 12 : i32
      %add3A_449 = arith.addi %add3A_447, %add3A_448 : i32
      %mul3A_450 = arith.mulf %gather3A, %get3A_198 : vector<16xf32>
      %add3A_451 = arith.addf %mul3A_450, %get3A_202 : vector<16xf32>
      %swap3A = arith.index_cast %add3A_449 : i32 to index
      %swap3A_452 = arith.constant 0 : index
      %swap3A_453 = tpu.vector_load %arg10[%swap3A, %swap3A_452] {strides = array<i32>} : memref<2496x32xf32, #tpu.memory_space<vmem>>, vector<16xf32>,
      tpu.vector_store %arg10[%swap3A, %swap3A_452], %add3A_451 {strides = array<i32>} : memref<2496x32xf32, #tpu.memory_space<vmem>>, vector<16xf32>,
      %mul3A_454 = arith.mulf %gather3A, %get3A_200 : vector<16xf32>
      %add3A_455 = arith.addf %mul3A_454, %get3A_204 : vector<16xf32>
      %swap3A_456 = arith.index_cast %add3A_449 : i32 to index
      %swap3A_457 = arith.constant 16 : index
      %swap3A_458 = tpu.vector_load %arg10[%swap3A_456, %swap3A_457] {strides = array<i32>} : memref<2496x32xf32, #tpu.memory_space<vmem>>, vector<16xf32>,
      tpu.vector_store %arg10[%swap3A_456, %swap3A_457], %add3A_455 {strides = array<i32>} : memref<2496x32xf32, #tpu.memory_space<vmem>>, vector<16xf32>,
      %scan3A_459 = arith.constant 0 : i32
      scf.yield %scan3A_459 : i32
    }
    %scan3A_211 = arith.constant 64 : i32
    %dma_wait3A = arith.constant 0 : i32
    %dma_wait3A_212 = arith.constant 0 : i32
    %dma_wait3A_213 = tpu.memref_slice %arg4[%dma_wait3A, %dma_wait3A_212] : memref<2600000x32xf32, #tpu.memory_space<hbm>> -> memref<2600000x32xf32, #tpu.memory_space<hbm>>
    tpu.wait_indirect_dma semaphore(%arg14 : memref<!tpu.dma_semaphore, #tpu.memory_space<semaphore_mem>>) src(%dma_wait3A_213 : memref<2600000x32xf32, #tpu.memory_space<hbm>>) dst(%arg10 : memref<2496x32xf32, #tpu.memory_space<vmem>>)
    %mul3A_214 = arith.constant 39 : i32
    %mul3A_215 = arith.muli %add3A_4, %mul3A_214 : i32
    "tpu.region"() ({
      %run_scoped3A = tpu.sem_alloc : memref<!tpu.dma_semaphore, #tpu.memory_space<semaphore_mem>>
      %dma_start3A_437 = arith.constant 0 : i32
      %dma_start3A_438 = tpu.memref_slice %arg7[%mul3A_215, %dma_start3A_437] : memref<159744x32xf32, #tpu.memory_space<hbm>> -> memref<2496x32xf32, #tpu.memory_space<hbm>>
      %dma_start3A_439 = arith.constant 0 : i32
      %dma_start3A_440 = tpu.memref_slice %arg7[%mul3A_215, %dma_start3A_439] : memref<159744x32xf32, #tpu.memory_space<hbm>> -> memref<2496x32xf32, #tpu.memory_space<hbm>>
      tpu.enqueue_dma source(%arg10 : memref<2496x32xf32, #tpu.memory_space<vmem>>) target(%dma_start3A_440 : memref<2496x32xf32, #tpu.memory_space<hbm>>) target_semaphore(%run_scoped3A : memref<!tpu.dma_semaphore, #tpu.memory_space<semaphore_mem>>)
      %dma_wait3A_441 = arith.constant 0 : i32
      %dma_wait3A_442 = tpu.memref_slice %arg7[%mul3A_215, %dma_wait3A_441] : memref<159744x32xf32, #tpu.memory_space<hbm>> -> memref<2496x32xf32, #tpu.memory_space<hbm>>
      %dma_wait3A_443 = arith.constant 0 : i32
      %dma_wait3A_444 = tpu.memref_slice %arg7[%mul3A_215, %dma_wait3A_443] : memref<159744x32xf32, #tpu.memory_space<hbm>> -> memref<2496x32xf32, #tpu.memory_space<hbm>>
      tpu.wait_dma2 semaphore(%run_scoped3A : memref<!tpu.dma_semaphore, #tpu.memory_space<semaphore_mem>>) src(%arg10 : memref<2496x32xf32, #tpu.memory_space<vmem>>) dst(%dma_wait3A_444 : memref<2496x32xf32, #tpu.memory_space<hbm>>)
      tpu.yield
    }) : () -> ()
    %mul3A_216 = arith.constant 128 : i32
    %mul3A_217 = arith.muli %add3A, %mul3A_216 : i32
    %add3A_218 = arith.constant 64 : i32
    %add3A_219 = arith.addi %mul3A_217, %add3A_218 : i32
    %mul3A_220 = arith.constant 26 : i32
    %mul3A_221 = arith.muli %add3A_219, %mul3A_220 : i32
    "tpu.region"() ({
      %run_scoped3A = tpu.sem_alloc : memref<!tpu.dma_semaphore, #tpu.memory_space<semaphore_mem>>
      %dma_start3A_437 = tpu.memref_slice %arg2[%mul3A_221] : memref<106496xi32, #tpu.memory_space<hbm>> -> memref<1664xi32, #tpu.memory_space<hbm>>
      %dma_start3A_438 = tpu.memref_slice %arg2[%mul3A_221] : memref<106496xi32, #tpu.memory_space<hbm>> -> memref<1664xi32, #tpu.memory_space<hbm>>
      tpu.enqueue_dma source(%dma_start3A_438 : memref<1664xi32, #tpu.memory_space<hbm>>) target(%arg8 : memref<1664xi32, #tpu.memory_space<vmem>>) target_semaphore(%run_scoped3A : memref<!tpu.dma_semaphore, #tpu.memory_space<semaphore_mem>>)
      %dma_wait3A_439 = tpu.memref_slice %arg2[%mul3A_221] : memref<106496xi32, #tpu.memory_space<hbm>> -> memref<1664xi32, #tpu.memory_space<hbm>>
      %dma_wait3A_440 = tpu.memref_slice %arg2[%mul3A_221] : memref<106496xi32, #tpu.memory_space<hbm>> -> memref<1664xi32, #tpu.memory_space<hbm>>
      tpu.wait_dma2 semaphore(%run_scoped3A : memref<!tpu.dma_semaphore, #tpu.memory_space<semaphore_mem>>) src(%dma_wait3A_440 : memref<1664xi32, #tpu.memory_space<hbm>>) dst(%arg8 : memref<1664xi32, #tpu.memory_space<vmem>>)
      tpu.yield
    }) : () -> ()
    %mul3A_222 = arith.constant 13 : i32
    %mul3A_223 = arith.muli %add3A_219, %mul3A_222 : i32
    "tpu.region"() ({
      %run_scoped3A = tpu.sem_alloc : memref<!tpu.dma_semaphore, #tpu.memory_space<semaphore_mem>>
      %dma_start3A_437 = tpu.memref_slice %arg3[%mul3A_223] : memref<53248xf32, #tpu.memory_space<hbm>> -> memref<832xf32, #tpu.memory_space<hbm>>
      %dma_start3A_438 = tpu.memref_slice %arg3[%mul3A_223] : memref<53248xf32, #tpu.memory_space<hbm>> -> memref<832xf32, #tpu.memory_space<hbm>>
      tpu.enqueue_dma source(%dma_start3A_438 : memref<832xf32, #tpu.memory_space<hbm>>) target(%arg11 : memref<832xf32, #tpu.memory_space<vmem>>) target_semaphore(%run_scoped3A : memref<!tpu.dma_semaphore, #tpu.memory_space<semaphore_mem>>)
      %dma_wait3A_439 = tpu.memref_slice %arg3[%mul3A_223] : memref<53248xf32, #tpu.memory_space<hbm>> -> memref<832xf32, #tpu.memory_space<hbm>>
      %dma_wait3A_440 = tpu.memref_slice %arg3[%mul3A_223] : memref<53248xf32, #tpu.memory_space<hbm>> -> memref<832xf32, #tpu.memory_space<hbm>>
      tpu.wait_dma2 semaphore(%run_scoped3A : memref<!tpu.dma_semaphore, #tpu.memory_space<semaphore_mem>>) src(%dma_wait3A_440 : memref<832xf32, #tpu.memory_space<hbm>>) dst(%arg11 : memref<832xf32, #tpu.memory_space<vmem>>)
      tpu.yield
    }) : () -> ()
    %iota3A_224 = tpu.iota {dimensions = array<i32: 0>} : vector<16xi32>
    %broadcast_in_dim3A_225 = arith.constant 0 : i32
    %broadcast_in_dim3A_226 = vector.broadcast %broadcast_in_dim3A_225 : i32 to vector<16xi32>
    %scan3A_227 = arith.constant 0 : i32
    %scan3A_228 = arith.constant 156 : i32
    %scan3A_229 = arith.addi %scan3A_227, %scan3A_228 : i32
    %scan3A_230 = arith.constant 1 : i32
    %scan3A_231:2 = scf.for %scan3A_437 = %scan3A_227 to %scan3A_229 step %scan3A_230 iter_args(%scan3A_438 = %broadcast_in_dim3A_226, %scan3A_439 = %iota3A_224) -> (vector<16xi32>, vector<16xi32>)  : i32 {
      %broadcast_in_dim3A_440 = arith.constant 26 : i32
      %broadcast_in_dim3A_441 = vector.broadcast %broadcast_in_dim3A_440 : i32 to vector<16xi32>
      %lt3A = arith.cmpi slt, %scan3A_439, %broadcast_in_dim3A_441 : vector<16xi32>
      %broadcast_in_dim3A_442 = arith.constant 26 : i32
      %broadcast_in_dim3A_443 = vector.broadcast %broadcast_in_dim3A_442 : i32 to vector<16xi32>
      %select_n3A = arith.select %lt3A, %broadcast_in_dim3A_226, %broadcast_in_dim3A_443 : vector<16xi1>, vector<16xi32>
      %sub3A = arith.subi %scan3A_439, %select_n3A : vector<16xi32>
      %mul3A_444 = arith.constant 26 : i32
      %mul3A_445 = vector.broadcast %mul3A_444 : i32 to vector<16xi32>
      %mul3A_446 = arith.muli %scan3A_438, %mul3A_445 : vector<16xi32>
      %add3A_447 = arith.addi %mul3A_446, %sub3A : vector<16xi32>
      %gather3A = tpu.vector_load_idx %arg8[%add3A_447] : memref<1664xi32, #tpu.memory_space<vmem>>[vector<16xi32>], vector<16xi32>,
      %mul3A_448 = arith.constant 100000 : i32
      %mul3A_449 = vector.broadcast %mul3A_448 : i32 to vector<16xi32>
      %mul3A_450 = arith.muli %sub3A, %mul3A_449 : vector<16xi32>
      %add3A_451 = arith.addi %gather3A, %mul3A_450 : vector<16xi32>
      %broadcast_in_dim3A_452 = arith.constant -1 : i32
      %broadcast_in_dim3A_453 = vector.broadcast %broadcast_in_dim3A_452 : i32 to vector<16xi32>
      %select_n3A_454 = arith.select %lt3A, %add3A_451, %broadcast_in_dim3A_453 : vector<16xi1>, vector<16xi32>
      %mul3A_455 = arith.constant 16 : i32
      %mul3A_456 = arith.muli %scan3A_437, %mul3A_455 : i32
      %swap3A = arith.index_cast %mul3A_456 : i32 to index
      %swap3A_457 = tpu.vector_load %arg9[%swap3A] {strides = array<i32>} : memref<2496xi32, #tpu.memory_space<vmem>>, vector<16xi32>,
      tpu.vector_store %arg9[%swap3A], %select_n3A_454 {strides = array<i32>} : memref<2496xi32, #tpu.memory_space<vmem>>, vector<16xi32>,
      %add3A_458 = arith.constant 16 : i32
      %add3A_459 = vector.broadcast %add3A_458 : i32 to vector<16xi32>
      %add3A_460 = arith.addi %scan3A_439, %add3A_459 : vector<16xi32>
      %broadcast_in_dim3A_461 = arith.constant 39 : i32
      %broadcast_in_dim3A_462 = vector.broadcast %broadcast_in_dim3A_461 : i32 to vector<16xi32>
      %ge3A = arith.cmpi sge, %add3A_460, %broadcast_in_dim3A_462 : vector<16xi32>
      %sub3A_463 = arith.constant 39 : i32
      %sub3A_464 = vector.broadcast %sub3A_463 : i32 to vector<16xi32>
      %sub3A_465 = arith.subi %add3A_460, %sub3A_464 : vector<16xi32>
      %select_n3A_466 = arith.select %ge3A, %sub3A_465, %add3A_460 : vector<16xi1>, vector<16xi32>
      %broadcast_in_dim3A_467 = arith.constant 1 : i32
      %broadcast_in_dim3A_468 = vector.broadcast %broadcast_in_dim3A_467 : i32 to vector<16xi32>
      %select_n3A_469 = arith.select %ge3A, %broadcast_in_dim3A_468, %broadcast_in_dim3A_226 : vector<16xi1>, vector<16xi32>
      %add3A_470 = arith.addi %scan3A_438, %select_n3A_469 : vector<16xi32>
      scf.yield %add3A_470, %select_n3A_466 : vector<16xi32>, vector<16xi32>
    }
    %scan3A_232 = arith.constant 156 : i32
    %dma_start3A_233 = arith.constant 0 : i32
    %dma_start3A_234 = arith.constant 0 : i32
    %dma_start3A_235 = tpu.memref_slice %arg4[%dma_start3A_233, %dma_start3A_234] : memref<2600000x32xf32, #tpu.memory_space<hbm>> -> memref<2600000x32xf32, #tpu.memory_space<hbm>>
    %dma_start3A_236 = arith.constant -1 : i32
    tpu.enqueue_indirect_dma source(%dma_start3A_235 : memref<2600000x32xf32, #tpu.memory_space<hbm>>) target(%arg10 : memref<2496x32xf32, #tpu.memory_space<vmem>>) offsets(%arg9 : memref<2496xi32, #tpu.memory_space<vmem>>) offset_filter(%dma_start3A_236) semaphore(%arg14 : memref<!tpu.dma_semaphore, #tpu.memory_space<semaphore_mem>>)
    %get3A_237 = arith.constant 0 : index
    %get3A_238 = tpu.vector_load %arg12[%get3A_237] {strides = array<i32>} : memref<416xf32, #tpu.memory_space<vmem>>, vector<16xf32>,
    %get3A_239 = arith.constant 16 : index
    %get3A_240 = tpu.vector_load %arg12[%get3A_239] {strides = array<i32>} : memref<416xf32, #tpu.memory_space<vmem>>, vector<16xf32>,
    %get3A_241 = arith.constant 0 : index
    %get3A_242 = tpu.vector_load %arg13[%get3A_241] {strides = array<i32>} : memref<416xf32, #tpu.memory_space<vmem>>, vector<16xf32>,
    %get3A_243 = arith.constant 16 : index
    %get3A_244 = tpu.vector_load %arg13[%get3A_243] {strides = array<i32>} : memref<416xf32, #tpu.memory_space<vmem>>, vector<16xf32>,
    %scan3A_245 = arith.constant 0 : i32
    %scan3A_246 = arith.constant 0 : i32
    %scan3A_247 = arith.constant 64 : i32
    %scan3A_248 = arith.addi %scan3A_246, %scan3A_247 : i32
    %scan3A_249 = arith.constant 1 : i32
    %scan3A_250 = scf.for %scan3A_437 = %scan3A_246 to %scan3A_248 step %scan3A_249 iter_args(%scan3A_438 = %scan3A_245) -> (i32)  : i32 {
      %mul3A_439 = arith.constant 13 : i32
      %mul3A_440 = arith.muli %scan3A_437, %mul3A_439 : i32
      %add3A_441 = arith.constant 0 : i32
      %add3A_442 = arith.addi %mul3A_440, %add3A_441 : i32
      %broadcast_in_dim3A_443 = vector.broadcast %add3A_442 : i32 to vector<16xi32>
      %gather3A = tpu.vector_load_idx %arg11[%broadcast_in_dim3A_443] : memref<832xf32, #tpu.memory_space<vmem>>[vector<16xi32>], vector<16xf32>,
      %mul3A_444 = arith.constant 39 : i32
      %mul3A_445 = arith.muli %scan3A_437, %mul3A_444 : i32
      %add3A_446 = arith.constant 26 : i32
      %add3A_447 = arith.addi %mul3A_445, %add3A_446 : i32
      %add3A_448 = arith.constant 0 : i32
      %add3A_449 = arith.addi %add3A_447, %add3A_448 : i32
      %mul3A_450 = arith.mulf %gather3A, %get3A_238 : vector<16xf32>
      %add3A_451 = arith.addf %mul3A_450, %get3A_242 : vector<16xf32>
      %swap3A = arith.index_cast %add3A_449 : i32 to index
      %swap3A_452 = arith.constant 0 : index
      %swap3A_453 = tpu.vector_load %arg10[%swap3A, %swap3A_452] {strides = array<i32>} : memref<2496x32xf32, #tpu.memory_space<vmem>>, vector<16xf32>,
      tpu.vector_store %arg10[%swap3A, %swap3A_452], %add3A_451 {strides = array<i32>} : memref<2496x32xf32, #tpu.memory_space<vmem>>, vector<16xf32>,
      %mul3A_454 = arith.mulf %gather3A, %get3A_240 : vector<16xf32>
      %add3A_455 = arith.addf %mul3A_454, %get3A_244 : vector<16xf32>
      %swap3A_456 = arith.index_cast %add3A_449 : i32 to index
      %swap3A_457 = arith.constant 16 : index
      %swap3A_458 = tpu.vector_load %arg10[%swap3A_456, %swap3A_457] {strides = array<i32>} : memref<2496x32xf32, #tpu.memory_space<vmem>>, vector<16xf32>,
      tpu.vector_store %arg10[%swap3A_456, %swap3A_457], %add3A_455 {strides = array<i32>} : memref<2496x32xf32, #tpu.memory_space<vmem>>, vector<16xf32>,
      %scan3A_459 = arith.constant 0 : i32
      scf.yield %scan3A_459 : i32
    }
    %scan3A_251 = arith.constant 64 : i32
    %get3A_252 = arith.constant 32 : index
    %get3A_253 = tpu.vector_load %arg12[%get3A_252] {strides = array<i32>} : memref<416xf32, #tpu.memory_space<vmem>>, vector<16xf32>,
    %get3A_254 = arith.constant 48 : index
    %get3A_255 = tpu.vector_load %arg12[%get3A_254] {strides = array<i32>} : memref<416xf32, #tpu.memory_space<vmem>>, vector<16xf32>,
    %get3A_256 = arith.constant 32 : index
    %get3A_257 = tpu.vector_load %arg13[%get3A_256] {strides = array<i32>} : memref<416xf32, #tpu.memory_space<vmem>>, vector<16xf32>,
    %get3A_258 = arith.constant 48 : index
    %get3A_259 = tpu.vector_load %arg13[%get3A_258] {strides = array<i32>} : memref<416xf32, #tpu.memory_space<vmem>>, vector<16xf32>,
    %scan3A_260 = arith.constant 0 : i32
    %scan3A_261 = arith.constant 0 : i32
    %scan3A_262 = arith.constant 64 : i32
    %scan3A_263 = arith.addi %scan3A_261, %scan3A_262 : i32
    %scan3A_264 = arith.constant 1 : i32
    %scan3A_265 = scf.for %scan3A_437 = %scan3A_261 to %scan3A_263 step %scan3A_264 iter_args(%scan3A_438 = %scan3A_260) -> (i32)  : i32 {
      %mul3A_439 = arith.constant 13 : i32
      %mul3A_440 = arith.muli %scan3A_437, %mul3A_439 : i32
      %add3A_441 = arith.constant 1 : i32
      %add3A_442 = arith.addi %mul3A_440, %add3A_441 : i32
      %broadcast_in_dim3A_443 = vector.broadcast %add3A_442 : i32 to vector<16xi32>
      %gather3A = tpu.vector_load_idx %arg11[%broadcast_in_dim3A_443] : memref<832xf32, #tpu.memory_space<vmem>>[vector<16xi32>], vector<16xf32>,
      %mul3A_444 = arith.constant 39 : i32
      %mul3A_445 = arith.muli %scan3A_437, %mul3A_444 : i32
      %add3A_446 = arith.constant 26 : i32
      %add3A_447 = arith.addi %mul3A_445, %add3A_446 : i32
      %add3A_448 = arith.constant 1 : i32
      %add3A_449 = arith.addi %add3A_447, %add3A_448 : i32
      %mul3A_450 = arith.mulf %gather3A, %get3A_253 : vector<16xf32>
      %add3A_451 = arith.addf %mul3A_450, %get3A_257 : vector<16xf32>
      %swap3A = arith.index_cast %add3A_449 : i32 to index
      %swap3A_452 = arith.constant 0 : index
      %swap3A_453 = tpu.vector_load %arg10[%swap3A, %swap3A_452] {strides = array<i32>} : memref<2496x32xf32, #tpu.memory_space<vmem>>, vector<16xf32>,
      tpu.vector_store %arg10[%swap3A, %swap3A_452], %add3A_451 {strides = array<i32>} : memref<2496x32xf32, #tpu.memory_space<vmem>>, vector<16xf32>,
      %mul3A_454 = arith.mulf %gather3A, %get3A_255 : vector<16xf32>
      %add3A_455 = arith.addf %mul3A_454, %get3A_259 : vector<16xf32>
      %swap3A_456 = arith.index_cast %add3A_449 : i32 to index
      %swap3A_457 = arith.constant 16 : index
      %swap3A_458 = tpu.vector_load %arg10[%swap3A_456, %swap3A_457] {strides = array<i32>} : memref<2496x32xf32, #tpu.memory_space<vmem>>, vector<16xf32>,
      tpu.vector_store %arg10[%swap3A_456, %swap3A_457], %add3A_455 {strides = array<i32>} : memref<2496x32xf32, #tpu.memory_space<vmem>>, vector<16xf32>,
      %scan3A_459 = arith.constant 0 : i32
      scf.yield %scan3A_459 : i32
    }
    %scan3A_266 = arith.constant 64 : i32
    %get3A_267 = arith.constant 64 : index
    %get3A_268 = tpu.vector_load %arg12[%get3A_267] {strides = array<i32>} : memref<416xf32, #tpu.memory_space<vmem>>, vector<16xf32>,
    %get3A_269 = arith.constant 80 : index
    %get3A_270 = tpu.vector_load %arg12[%get3A_269] {strides = array<i32>} : memref<416xf32, #tpu.memory_space<vmem>>, vector<16xf32>,
    %get3A_271 = arith.constant 64 : index
    %get3A_272 = tpu.vector_load %arg13[%get3A_271] {strides = array<i32>} : memref<416xf32, #tpu.memory_space<vmem>>, vector<16xf32>,
    %get3A_273 = arith.constant 80 : index
    %get3A_274 = tpu.vector_load %arg13[%get3A_273] {strides = array<i32>} : memref<416xf32, #tpu.memory_space<vmem>>, vector<16xf32>,
    %scan3A_275 = arith.constant 0 : i32
    %scan3A_276 = arith.constant 0 : i32
    %scan3A_277 = arith.constant 64 : i32
    %scan3A_278 = arith.addi %scan3A_276, %scan3A_277 : i32
    %scan3A_279 = arith.constant 1 : i32
    %scan3A_280 = scf.for %scan3A_437 = %scan3A_276 to %scan3A_278 step %scan3A_279 iter_args(%scan3A_438 = %scan3A_275) -> (i32)  : i32 {
      %mul3A_439 = arith.constant 13 : i32
      %mul3A_440 = arith.muli %scan3A_437, %mul3A_439 : i32
      %add3A_441 = arith.constant 2 : i32
      %add3A_442 = arith.addi %mul3A_440, %add3A_441 : i32
      %broadcast_in_dim3A_443 = vector.broadcast %add3A_442 : i32 to vector<16xi32>
      %gather3A = tpu.vector_load_idx %arg11[%broadcast_in_dim3A_443] : memref<832xf32, #tpu.memory_space<vmem>>[vector<16xi32>], vector<16xf32>,
      %mul3A_444 = arith.constant 39 : i32
      %mul3A_445 = arith.muli %scan3A_437, %mul3A_444 : i32
      %add3A_446 = arith.constant 26 : i32
      %add3A_447 = arith.addi %mul3A_445, %add3A_446 : i32
      %add3A_448 = arith.constant 2 : i32
      %add3A_449 = arith.addi %add3A_447, %add3A_448 : i32
      %mul3A_450 = arith.mulf %gather3A, %get3A_268 : vector<16xf32>
      %add3A_451 = arith.addf %mul3A_450, %get3A_272 : vector<16xf32>
      %swap3A = arith.index_cast %add3A_449 : i32 to index
      %swap3A_452 = arith.constant 0 : index
      %swap3A_453 = tpu.vector_load %arg10[%swap3A, %swap3A_452] {strides = array<i32>} : memref<2496x32xf32, #tpu.memory_space<vmem>>, vector<16xf32>,
      tpu.vector_store %arg10[%swap3A, %swap3A_452], %add3A_451 {strides = array<i32>} : memref<2496x32xf32, #tpu.memory_space<vmem>>, vector<16xf32>,
      %mul3A_454 = arith.mulf %gather3A, %get3A_270 : vector<16xf32>
      %add3A_455 = arith.addf %mul3A_454, %get3A_274 : vector<16xf32>
      %swap3A_456 = arith.index_cast %add3A_449 : i32 to index
      %swap3A_457 = arith.constant 16 : index
      %swap3A_458 = tpu.vector_load %arg10[%swap3A_456, %swap3A_457] {strides = array<i32>} : memref<2496x32xf32, #tpu.memory_space<vmem>>, vector<16xf32>,
      tpu.vector_store %arg10[%swap3A_456, %swap3A_457], %add3A_455 {strides = array<i32>} : memref<2496x32xf32, #tpu.memory_space<vmem>>, vector<16xf32>,
      %scan3A_459 = arith.constant 0 : i32
      scf.yield %scan3A_459 : i32
    }
    %scan3A_281 = arith.constant 64 : i32
    %get3A_282 = arith.constant 96 : index
    %get3A_283 = tpu.vector_load %arg12[%get3A_282] {strides = array<i32>} : memref<416xf32, #tpu.memory_space<vmem>>, vector<16xf32>,
    %get3A_284 = arith.constant 112 : index
    %get3A_285 = tpu.vector_load %arg12[%get3A_284] {strides = array<i32>} : memref<416xf32, #tpu.memory_space<vmem>>, vector<16xf32>,
    %get3A_286 = arith.constant 96 : index
    %get3A_287 = tpu.vector_load %arg13[%get3A_286] {strides = array<i32>} : memref<416xf32, #tpu.memory_space<vmem>>, vector<16xf32>,
    %get3A_288 = arith.constant 112 : index
    %get3A_289 = tpu.vector_load %arg13[%get3A_288] {strides = array<i32>} : memref<416xf32, #tpu.memory_space<vmem>>, vector<16xf32>,
    %scan3A_290 = arith.constant 0 : i32
    %scan3A_291 = arith.constant 0 : i32
    %scan3A_292 = arith.constant 64 : i32
    %scan3A_293 = arith.addi %scan3A_291, %scan3A_292 : i32
    %scan3A_294 = arith.constant 1 : i32
    %scan3A_295 = scf.for %scan3A_437 = %scan3A_291 to %scan3A_293 step %scan3A_294 iter_args(%scan3A_438 = %scan3A_290) -> (i32)  : i32 {
      %mul3A_439 = arith.constant 13 : i32
      %mul3A_440 = arith.muli %scan3A_437, %mul3A_439 : i32
      %add3A_441 = arith.constant 3 : i32
      %add3A_442 = arith.addi %mul3A_440, %add3A_441 : i32
      %broadcast_in_dim3A_443 = vector.broadcast %add3A_442 : i32 to vector<16xi32>
      %gather3A = tpu.vector_load_idx %arg11[%broadcast_in_dim3A_443] : memref<832xf32, #tpu.memory_space<vmem>>[vector<16xi32>], vector<16xf32>,
      %mul3A_444 = arith.constant 39 : i32
      %mul3A_445 = arith.muli %scan3A_437, %mul3A_444 : i32
      %add3A_446 = arith.constant 26 : i32
      %add3A_447 = arith.addi %mul3A_445, %add3A_446 : i32
      %add3A_448 = arith.constant 3 : i32
      %add3A_449 = arith.addi %add3A_447, %add3A_448 : i32
      %mul3A_450 = arith.mulf %gather3A, %get3A_283 : vector<16xf32>
      %add3A_451 = arith.addf %mul3A_450, %get3A_287 : vector<16xf32>
      %swap3A = arith.index_cast %add3A_449 : i32 to index
      %swap3A_452 = arith.constant 0 : index
      %swap3A_453 = tpu.vector_load %arg10[%swap3A, %swap3A_452] {strides = array<i32>} : memref<2496x32xf32, #tpu.memory_space<vmem>>, vector<16xf32>,
      tpu.vector_store %arg10[%swap3A, %swap3A_452], %add3A_451 {strides = array<i32>} : memref<2496x32xf32, #tpu.memory_space<vmem>>, vector<16xf32>,
      %mul3A_454 = arith.mulf %gather3A, %get3A_285 : vector<16xf32>
      %add3A_455 = arith.addf %mul3A_454, %get3A_289 : vector<16xf32>
      %swap3A_456 = arith.index_cast %add3A_449 : i32 to index
      %swap3A_457 = arith.constant 16 : index
      %swap3A_458 = tpu.vector_load %arg10[%swap3A_456, %swap3A_457] {strides = array<i32>} : memref<2496x32xf32, #tpu.memory_space<vmem>>, vector<16xf32>,
      tpu.vector_store %arg10[%swap3A_456, %swap3A_457], %add3A_455 {strides = array<i32>} : memref<2496x32xf32, #tpu.memory_space<vmem>>, vector<16xf32>,
      %scan3A_459 = arith.constant 0 : i32
      scf.yield %scan3A_459 : i32
    }
    %scan3A_296 = arith.constant 64 : i32
    %get3A_297 = arith.constant 128 : index
    %get3A_298 = tpu.vector_load %arg12[%get3A_297] {strides = array<i32>} : memref<416xf32, #tpu.memory_space<vmem>>, vector<16xf32>,
    %get3A_299 = arith.constant 144 : index
    %get3A_300 = tpu.vector_load %arg12[%get3A_299] {strides = array<i32>} : memref<416xf32, #tpu.memory_space<vmem>>, vector<16xf32>,
    %get3A_301 = arith.constant 128 : index
    %get3A_302 = tpu.vector_load %arg13[%get3A_301] {strides = array<i32>} : memref<416xf32, #tpu.memory_space<vmem>>, vector<16xf32>,
    %get3A_303 = arith.constant 144 : index
    %get3A_304 = tpu.vector_load %arg13[%get3A_303] {strides = array<i32>} : memref<416xf32, #tpu.memory_space<vmem>>, vector<16xf32>,
    %scan3A_305 = arith.constant 0 : i32
    %scan3A_306 = arith.constant 0 : i32
    %scan3A_307 = arith.constant 64 : i32
    %scan3A_308 = arith.addi %scan3A_306, %scan3A_307 : i32
    %scan3A_309 = arith.constant 1 : i32
    %scan3A_310 = scf.for %scan3A_437 = %scan3A_306 to %scan3A_308 step %scan3A_309 iter_args(%scan3A_438 = %scan3A_305) -> (i32)  : i32 {
      %mul3A_439 = arith.constant 13 : i32
      %mul3A_440 = arith.muli %scan3A_437, %mul3A_439 : i32
      %add3A_441 = arith.constant 4 : i32
      %add3A_442 = arith.addi %mul3A_440, %add3A_441 : i32
      %broadcast_in_dim3A_443 = vector.broadcast %add3A_442 : i32 to vector<16xi32>
      %gather3A = tpu.vector_load_idx %arg11[%broadcast_in_dim3A_443] : memref<832xf32, #tpu.memory_space<vmem>>[vector<16xi32>], vector<16xf32>,
      %mul3A_444 = arith.constant 39 : i32
      %mul3A_445 = arith.muli %scan3A_437, %mul3A_444 : i32
      %add3A_446 = arith.constant 26 : i32
      %add3A_447 = arith.addi %mul3A_445, %add3A_446 : i32
      %add3A_448 = arith.constant 4 : i32
      %add3A_449 = arith.addi %add3A_447, %add3A_448 : i32
      %mul3A_450 = arith.mulf %gather3A, %get3A_298 : vector<16xf32>
      %add3A_451 = arith.addf %mul3A_450, %get3A_302 : vector<16xf32>
      %swap3A = arith.index_cast %add3A_449 : i32 to index
      %swap3A_452 = arith.constant 0 : index
      %swap3A_453 = tpu.vector_load %arg10[%swap3A, %swap3A_452] {strides = array<i32>} : memref<2496x32xf32, #tpu.memory_space<vmem>>, vector<16xf32>,
      tpu.vector_store %arg10[%swap3A, %swap3A_452], %add3A_451 {strides = array<i32>} : memref<2496x32xf32, #tpu.memory_space<vmem>>, vector<16xf32>,
      %mul3A_454 = arith.mulf %gather3A, %get3A_300 : vector<16xf32>
      %add3A_455 = arith.addf %mul3A_454, %get3A_304 : vector<16xf32>
      %swap3A_456 = arith.index_cast %add3A_449 : i32 to index
      %swap3A_457 = arith.constant 16 : index
      %swap3A_458 = tpu.vector_load %arg10[%swap3A_456, %swap3A_457] {strides = array<i32>} : memref<2496x32xf32, #tpu.memory_space<vmem>>, vector<16xf32>,
      tpu.vector_store %arg10[%swap3A_456, %swap3A_457], %add3A_455 {strides = array<i32>} : memref<2496x32xf32, #tpu.memory_space<vmem>>, vector<16xf32>,
      %scan3A_459 = arith.constant 0 : i32
      scf.yield %scan3A_459 : i32
    }
    %scan3A_311 = arith.constant 64 : i32
    %get3A_312 = arith.constant 160 : index
    %get3A_313 = tpu.vector_load %arg12[%get3A_312] {strides = array<i32>} : memref<416xf32, #tpu.memory_space<vmem>>, vector<16xf32>,
    %get3A_314 = arith.constant 176 : index
    %get3A_315 = tpu.vector_load %arg12[%get3A_314] {strides = array<i32>} : memref<416xf32, #tpu.memory_space<vmem>>, vector<16xf32>,
    %get3A_316 = arith.constant 160 : index
    %get3A_317 = tpu.vector_load %arg13[%get3A_316] {strides = array<i32>} : memref<416xf32, #tpu.memory_space<vmem>>, vector<16xf32>,
    %get3A_318 = arith.constant 176 : index
    %get3A_319 = tpu.vector_load %arg13[%get3A_318] {strides = array<i32>} : memref<416xf32, #tpu.memory_space<vmem>>, vector<16xf32>,
    %scan3A_320 = arith.constant 0 : i32
    %scan3A_321 = arith.constant 0 : i32
    %scan3A_322 = arith.constant 64 : i32
    %scan3A_323 = arith.addi %scan3A_321, %scan3A_322 : i32
    %scan3A_324 = arith.constant 1 : i32
    %scan3A_325 = scf.for %scan3A_437 = %scan3A_321 to %scan3A_323 step %scan3A_324 iter_args(%scan3A_438 = %scan3A_320) -> (i32)  : i32 {
      %mul3A_439 = arith.constant 13 : i32
      %mul3A_440 = arith.muli %scan3A_437, %mul3A_439 : i32
      %add3A_441 = arith.constant 5 : i32
      %add3A_442 = arith.addi %mul3A_440, %add3A_441 : i32
      %broadcast_in_dim3A_443 = vector.broadcast %add3A_442 : i32 to vector<16xi32>
      %gather3A = tpu.vector_load_idx %arg11[%broadcast_in_dim3A_443] : memref<832xf32, #tpu.memory_space<vmem>>[vector<16xi32>], vector<16xf32>,
      %mul3A_444 = arith.constant 39 : i32
      %mul3A_445 = arith.muli %scan3A_437, %mul3A_444 : i32
      %add3A_446 = arith.constant 26 : i32
      %add3A_447 = arith.addi %mul3A_445, %add3A_446 : i32
      %add3A_448 = arith.constant 5 : i32
      %add3A_449 = arith.addi %add3A_447, %add3A_448 : i32
      %mul3A_450 = arith.mulf %gather3A, %get3A_313 : vector<16xf32>
      %add3A_451 = arith.addf %mul3A_450, %get3A_317 : vector<16xf32>
      %swap3A = arith.index_cast %add3A_449 : i32 to index
      %swap3A_452 = arith.constant 0 : index
      %swap3A_453 = tpu.vector_load %arg10[%swap3A, %swap3A_452] {strides = array<i32>} : memref<2496x32xf32, #tpu.memory_space<vmem>>, vector<16xf32>,
      tpu.vector_store %arg10[%swap3A, %swap3A_452], %add3A_451 {strides = array<i32>} : memref<2496x32xf32, #tpu.memory_space<vmem>>, vector<16xf32>,
      %mul3A_454 = arith.mulf %gather3A, %get3A_315 : vector<16xf32>
      %add3A_455 = arith.addf %mul3A_454, %get3A_319 : vector<16xf32>
      %swap3A_456 = arith.index_cast %add3A_449 : i32 to index
      %swap3A_457 = arith.constant 16 : index
      %swap3A_458 = tpu.vector_load %arg10[%swap3A_456, %swap3A_457] {strides = array<i32>} : memref<2496x32xf32, #tpu.memory_space<vmem>>, vector<16xf32>,
      tpu.vector_store %arg10[%swap3A_456, %swap3A_457], %add3A_455 {strides = array<i32>} : memref<2496x32xf32, #tpu.memory_space<vmem>>, vector<16xf32>,
      %scan3A_459 = arith.constant 0 : i32
      scf.yield %scan3A_459 : i32
    }
    %scan3A_326 = arith.constant 64 : i32
    %get3A_327 = arith.constant 192 : index
    %get3A_328 = tpu.vector_load %arg12[%get3A_327] {strides = array<i32>} : memref<416xf32, #tpu.memory_space<vmem>>, vector<16xf32>,
    %get3A_329 = arith.constant 208 : index
    %get3A_330 = tpu.vector_load %arg12[%get3A_329] {strides = array<i32>} : memref<416xf32, #tpu.memory_space<vmem>>, vector<16xf32>,
    %get3A_331 = arith.constant 192 : index
    %get3A_332 = tpu.vector_load %arg13[%get3A_331] {strides = array<i32>} : memref<416xf32, #tpu.memory_space<vmem>>, vector<16xf32>,
    %get3A_333 = arith.constant 208 : index
    %get3A_334 = tpu.vector_load %arg13[%get3A_333] {strides = array<i32>} : memref<416xf32, #tpu.memory_space<vmem>>, vector<16xf32>,
    %scan3A_335 = arith.constant 0 : i32
    %scan3A_336 = arith.constant 0 : i32
    %scan3A_337 = arith.constant 64 : i32
    %scan3A_338 = arith.addi %scan3A_336, %scan3A_337 : i32
    %scan3A_339 = arith.constant 1 : i32
    %scan3A_340 = scf.for %scan3A_437 = %scan3A_336 to %scan3A_338 step %scan3A_339 iter_args(%scan3A_438 = %scan3A_335) -> (i32)  : i32 {
      %mul3A_439 = arith.constant 13 : i32
      %mul3A_440 = arith.muli %scan3A_437, %mul3A_439 : i32
      %add3A_441 = arith.constant 6 : i32
      %add3A_442 = arith.addi %mul3A_440, %add3A_441 : i32
      %broadcast_in_dim3A_443 = vector.broadcast %add3A_442 : i32 to vector<16xi32>
      %gather3A = tpu.vector_load_idx %arg11[%broadcast_in_dim3A_443] : memref<832xf32, #tpu.memory_space<vmem>>[vector<16xi32>], vector<16xf32>,
      %mul3A_444 = arith.constant 39 : i32
      %mul3A_445 = arith.muli %scan3A_437, %mul3A_444 : i32
      %add3A_446 = arith.constant 26 : i32
      %add3A_447 = arith.addi %mul3A_445, %add3A_446 : i32
      %add3A_448 = arith.constant 6 : i32
      %add3A_449 = arith.addi %add3A_447, %add3A_448 : i32
      %mul3A_450 = arith.mulf %gather3A, %get3A_328 : vector<16xf32>
      %add3A_451 = arith.addf %mul3A_450, %get3A_332 : vector<16xf32>
      %swap3A = arith.index_cast %add3A_449 : i32 to index
      %swap3A_452 = arith.constant 0 : index
      %swap3A_453 = tpu.vector_load %arg10[%swap3A, %swap3A_452] {strides = array<i32>} : memref<2496x32xf32, #tpu.memory_space<vmem>>, vector<16xf32>,
      tpu.vector_store %arg10[%swap3A, %swap3A_452], %add3A_451 {strides = array<i32>} : memref<2496x32xf32, #tpu.memory_space<vmem>>, vector<16xf32>,
      %mul3A_454 = arith.mulf %gather3A, %get3A_330 : vector<16xf32>
      %add3A_455 = arith.addf %mul3A_454, %get3A_334 : vector<16xf32>
      %swap3A_456 = arith.index_cast %add3A_449 : i32 to index
      %swap3A_457 = arith.constant 16 : index
      %swap3A_458 = tpu.vector_load %arg10[%swap3A_456, %swap3A_457] {strides = array<i32>} : memref<2496x32xf32, #tpu.memory_space<vmem>>, vector<16xf32>,
      tpu.vector_store %arg10[%swap3A_456, %swap3A_457], %add3A_455 {strides = array<i32>} : memref<2496x32xf32, #tpu.memory_space<vmem>>, vector<16xf32>,
      %scan3A_459 = arith.constant 0 : i32
      scf.yield %scan3A_459 : i32
    }
    %scan3A_341 = arith.constant 64 : i32
    %get3A_342 = arith.constant 224 : index
    %get3A_343 = tpu.vector_load %arg12[%get3A_342] {strides = array<i32>} : memref<416xf32, #tpu.memory_space<vmem>>, vector<16xf32>,
    %get3A_344 = arith.constant 240 : index
    %get3A_345 = tpu.vector_load %arg12[%get3A_344] {strides = array<i32>} : memref<416xf32, #tpu.memory_space<vmem>>, vector<16xf32>,
    %get3A_346 = arith.constant 224 : index
    %get3A_347 = tpu.vector_load %arg13[%get3A_346] {strides = array<i32>} : memref<416xf32, #tpu.memory_space<vmem>>, vector<16xf32>,
    %get3A_348 = arith.constant 240 : index
    %get3A_349 = tpu.vector_load %arg13[%get3A_348] {strides = array<i32>} : memref<416xf32, #tpu.memory_space<vmem>>, vector<16xf32>,
    %scan3A_350 = arith.constant 0 : i32
    %scan3A_351 = arith.constant 0 : i32
    %scan3A_352 = arith.constant 64 : i32
    %scan3A_353 = arith.addi %scan3A_351, %scan3A_352 : i32
    %scan3A_354 = arith.constant 1 : i32
    %scan3A_355 = scf.for %scan3A_437 = %scan3A_351 to %scan3A_353 step %scan3A_354 iter_args(%scan3A_438 = %scan3A_350) -> (i32)  : i32 {
      %mul3A_439 = arith.constant 13 : i32
      %mul3A_440 = arith.muli %scan3A_437, %mul3A_439 : i32
      %add3A_441 = arith.constant 7 : i32
      %add3A_442 = arith.addi %mul3A_440, %add3A_441 : i32
      %broadcast_in_dim3A_443 = vector.broadcast %add3A_442 : i32 to vector<16xi32>
      %gather3A = tpu.vector_load_idx %arg11[%broadcast_in_dim3A_443] : memref<832xf32, #tpu.memory_space<vmem>>[vector<16xi32>], vector<16xf32>,
      %mul3A_444 = arith.constant 39 : i32
      %mul3A_445 = arith.muli %scan3A_437, %mul3A_444 : i32
      %add3A_446 = arith.constant 26 : i32
      %add3A_447 = arith.addi %mul3A_445, %add3A_446 : i32
      %add3A_448 = arith.constant 7 : i32
      %add3A_449 = arith.addi %add3A_447, %add3A_448 : i32
      %mul3A_450 = arith.mulf %gather3A, %get3A_343 : vector<16xf32>
      %add3A_451 = arith.addf %mul3A_450, %get3A_347 : vector<16xf32>
      %swap3A = arith.index_cast %add3A_449 : i32 to index
      %swap3A_452 = arith.constant 0 : index
      %swap3A_453 = tpu.vector_load %arg10[%swap3A, %swap3A_452] {strides = array<i32>} : memref<2496x32xf32, #tpu.memory_space<vmem>>, vector<16xf32>,
      tpu.vector_store %arg10[%swap3A, %swap3A_452], %add3A_451 {strides = array<i32>} : memref<2496x32xf32, #tpu.memory_space<vmem>>, vector<16xf32>,
      %mul3A_454 = arith.mulf %gather3A, %get3A_345 : vector<16xf32>
      %add3A_455 = arith.addf %mul3A_454, %get3A_349 : vector<16xf32>
      %swap3A_456 = arith.index_cast %add3A_449 : i32 to index
      %swap3A_457 = arith.constant 16 : index
      %swap3A_458 = tpu.vector_load %arg10[%swap3A_456, %swap3A_457] {strides = array<i32>} : memref<2496x32xf32, #tpu.memory_space<vmem>>, vector<16xf32>,
      tpu.vector_store %arg10[%swap3A_456, %swap3A_457], %add3A_455 {strides = array<i32>} : memref<2496x32xf32, #tpu.memory_space<vmem>>, vector<16xf32>,
      %scan3A_459 = arith.constant 0 : i32
      scf.yield %scan3A_459 : i32
    }
    %scan3A_356 = arith.constant 64 : i32
    %get3A_357 = arith.constant 256 : index
    %get3A_358 = tpu.vector_load %arg12[%get3A_357] {strides = array<i32>} : memref<416xf32, #tpu.memory_space<vmem>>, vector<16xf32>,
    %get3A_359 = arith.constant 272 : index
    %get3A_360 = tpu.vector_load %arg12[%get3A_359] {strides = array<i32>} : memref<416xf32, #tpu.memory_space<vmem>>, vector<16xf32>,
    %get3A_361 = arith.constant 256 : index
    %get3A_362 = tpu.vector_load %arg13[%get3A_361] {strides = array<i32>} : memref<416xf32, #tpu.memory_space<vmem>>, vector<16xf32>,
    %get3A_363 = arith.constant 272 : index
    %get3A_364 = tpu.vector_load %arg13[%get3A_363] {strides = array<i32>} : memref<416xf32, #tpu.memory_space<vmem>>, vector<16xf32>,
    %scan3A_365 = arith.constant 0 : i32
    %scan3A_366 = arith.constant 0 : i32
    %scan3A_367 = arith.constant 64 : i32
    %scan3A_368 = arith.addi %scan3A_366, %scan3A_367 : i32
    %scan3A_369 = arith.constant 1 : i32
    %scan3A_370 = scf.for %scan3A_437 = %scan3A_366 to %scan3A_368 step %scan3A_369 iter_args(%scan3A_438 = %scan3A_365) -> (i32)  : i32 {
      %mul3A_439 = arith.constant 13 : i32
      %mul3A_440 = arith.muli %scan3A_437, %mul3A_439 : i32
      %add3A_441 = arith.constant 8 : i32
      %add3A_442 = arith.addi %mul3A_440, %add3A_441 : i32
      %broadcast_in_dim3A_443 = vector.broadcast %add3A_442 : i32 to vector<16xi32>
      %gather3A = tpu.vector_load_idx %arg11[%broadcast_in_dim3A_443] : memref<832xf32, #tpu.memory_space<vmem>>[vector<16xi32>], vector<16xf32>,
      %mul3A_444 = arith.constant 39 : i32
      %mul3A_445 = arith.muli %scan3A_437, %mul3A_444 : i32
      %add3A_446 = arith.constant 26 : i32
      %add3A_447 = arith.addi %mul3A_445, %add3A_446 : i32
      %add3A_448 = arith.constant 8 : i32
      %add3A_449 = arith.addi %add3A_447, %add3A_448 : i32
      %mul3A_450 = arith.mulf %gather3A, %get3A_358 : vector<16xf32>
      %add3A_451 = arith.addf %mul3A_450, %get3A_362 : vector<16xf32>
      %swap3A = arith.index_cast %add3A_449 : i32 to index
      %swap3A_452 = arith.constant 0 : index
      %swap3A_453 = tpu.vector_load %arg10[%swap3A, %swap3A_452] {strides = array<i32>} : memref<2496x32xf32, #tpu.memory_space<vmem>>, vector<16xf32>,
      tpu.vector_store %arg10[%swap3A, %swap3A_452], %add3A_451 {strides = array<i32>} : memref<2496x32xf32, #tpu.memory_space<vmem>>, vector<16xf32>,
      %mul3A_454 = arith.mulf %gather3A, %get3A_360 : vector<16xf32>
      %add3A_455 = arith.addf %mul3A_454, %get3A_364 : vector<16xf32>
      %swap3A_456 = arith.index_cast %add3A_449 : i32 to index
      %swap3A_457 = arith.constant 16 : index
      %swap3A_458 = tpu.vector_load %arg10[%swap3A_456, %swap3A_457] {strides = array<i32>} : memref<2496x32xf32, #tpu.memory_space<vmem>>, vector<16xf32>,
      tpu.vector_store %arg10[%swap3A_456, %swap3A_457], %add3A_455 {strides = array<i32>} : memref<2496x32xf32, #tpu.memory_space<vmem>>, vector<16xf32>,
      %scan3A_459 = arith.constant 0 : i32
      scf.yield %scan3A_459 : i32
    }
    %scan3A_371 = arith.constant 64 : i32
    %get3A_372 = arith.constant 288 : index
    %get3A_373 = tpu.vector_load %arg12[%get3A_372] {strides = array<i32>} : memref<416xf32, #tpu.memory_space<vmem>>, vector<16xf32>,
    %get3A_374 = arith.constant 304 : index
    %get3A_375 = tpu.vector_load %arg12[%get3A_374] {strides = array<i32>} : memref<416xf32, #tpu.memory_space<vmem>>, vector<16xf32>,
    %get3A_376 = arith.constant 288 : index
    %get3A_377 = tpu.vector_load %arg13[%get3A_376] {strides = array<i32>} : memref<416xf32, #tpu.memory_space<vmem>>, vector<16xf32>,
    %get3A_378 = arith.constant 304 : index
    %get3A_379 = tpu.vector_load %arg13[%get3A_378] {strides = array<i32>} : memref<416xf32, #tpu.memory_space<vmem>>, vector<16xf32>,
    %scan3A_380 = arith.constant 0 : i32
    %scan3A_381 = arith.constant 0 : i32
    %scan3A_382 = arith.constant 64 : i32
    %scan3A_383 = arith.addi %scan3A_381, %scan3A_382 : i32
    %scan3A_384 = arith.constant 1 : i32
    %scan3A_385 = scf.for %scan3A_437 = %scan3A_381 to %scan3A_383 step %scan3A_384 iter_args(%scan3A_438 = %scan3A_380) -> (i32)  : i32 {
      %mul3A_439 = arith.constant 13 : i32
      %mul3A_440 = arith.muli %scan3A_437, %mul3A_439 : i32
      %add3A_441 = arith.constant 9 : i32
      %add3A_442 = arith.addi %mul3A_440, %add3A_441 : i32
      %broadcast_in_dim3A_443 = vector.broadcast %add3A_442 : i32 to vector<16xi32>
      %gather3A = tpu.vector_load_idx %arg11[%broadcast_in_dim3A_443] : memref<832xf32, #tpu.memory_space<vmem>>[vector<16xi32>], vector<16xf32>,
      %mul3A_444 = arith.constant 39 : i32
      %mul3A_445 = arith.muli %scan3A_437, %mul3A_444 : i32
      %add3A_446 = arith.constant 26 : i32
      %add3A_447 = arith.addi %mul3A_445, %add3A_446 : i32
      %add3A_448 = arith.constant 9 : i32
      %add3A_449 = arith.addi %add3A_447, %add3A_448 : i32
      %mul3A_450 = arith.mulf %gather3A, %get3A_373 : vector<16xf32>
      %add3A_451 = arith.addf %mul3A_450, %get3A_377 : vector<16xf32>
      %swap3A = arith.index_cast %add3A_449 : i32 to index
      %swap3A_452 = arith.constant 0 : index
      %swap3A_453 = tpu.vector_load %arg10[%swap3A, %swap3A_452] {strides = array<i32>} : memref<2496x32xf32, #tpu.memory_space<vmem>>, vector<16xf32>,
      tpu.vector_store %arg10[%swap3A, %swap3A_452], %add3A_451 {strides = array<i32>} : memref<2496x32xf32, #tpu.memory_space<vmem>>, vector<16xf32>,
      %mul3A_454 = arith.mulf %gather3A, %get3A_375 : vector<16xf32>
      %add3A_455 = arith.addf %mul3A_454, %get3A_379 : vector<16xf32>
      %swap3A_456 = arith.index_cast %add3A_449 : i32 to index
      %swap3A_457 = arith.constant 16 : index
      %swap3A_458 = tpu.vector_load %arg10[%swap3A_456, %swap3A_457] {strides = array<i32>} : memref<2496x32xf32, #tpu.memory_space<vmem>>, vector<16xf32>,
      tpu.vector_store %arg10[%swap3A_456, %swap3A_457], %add3A_455 {strides = array<i32>} : memref<2496x32xf32, #tpu.memory_space<vmem>>, vector<16xf32>,
      %scan3A_459 = arith.constant 0 : i32
      scf.yield %scan3A_459 : i32
    }
    %scan3A_386 = arith.constant 64 : i32
    %get3A_387 = arith.constant 320 : index
    %get3A_388 = tpu.vector_load %arg12[%get3A_387] {strides = array<i32>} : memref<416xf32, #tpu.memory_space<vmem>>, vector<16xf32>,
    %get3A_389 = arith.constant 336 : index
    %get3A_390 = tpu.vector_load %arg12[%get3A_389] {strides = array<i32>} : memref<416xf32, #tpu.memory_space<vmem>>, vector<16xf32>,
    %get3A_391 = arith.constant 320 : index
    %get3A_392 = tpu.vector_load %arg13[%get3A_391] {strides = array<i32>} : memref<416xf32, #tpu.memory_space<vmem>>, vector<16xf32>,
    %get3A_393 = arith.constant 336 : index
    %get3A_394 = tpu.vector_load %arg13[%get3A_393] {strides = array<i32>} : memref<416xf32, #tpu.memory_space<vmem>>, vector<16xf32>,
    %scan3A_395 = arith.constant 0 : i32
    %scan3A_396 = arith.constant 0 : i32
    %scan3A_397 = arith.constant 64 : i32
    %scan3A_398 = arith.addi %scan3A_396, %scan3A_397 : i32
    %scan3A_399 = arith.constant 1 : i32
    %scan3A_400 = scf.for %scan3A_437 = %scan3A_396 to %scan3A_398 step %scan3A_399 iter_args(%scan3A_438 = %scan3A_395) -> (i32)  : i32 {
      %mul3A_439 = arith.constant 13 : i32
      %mul3A_440 = arith.muli %scan3A_437, %mul3A_439 : i32
      %add3A_441 = arith.constant 10 : i32
      %add3A_442 = arith.addi %mul3A_440, %add3A_441 : i32
      %broadcast_in_dim3A_443 = vector.broadcast %add3A_442 : i32 to vector<16xi32>
      %gather3A = tpu.vector_load_idx %arg11[%broadcast_in_dim3A_443] : memref<832xf32, #tpu.memory_space<vmem>>[vector<16xi32>], vector<16xf32>,
      %mul3A_444 = arith.constant 39 : i32
      %mul3A_445 = arith.muli %scan3A_437, %mul3A_444 : i32
      %add3A_446 = arith.constant 26 : i32
      %add3A_447 = arith.addi %mul3A_445, %add3A_446 : i32
      %add3A_448 = arith.constant 10 : i32
      %add3A_449 = arith.addi %add3A_447, %add3A_448 : i32
      %mul3A_450 = arith.mulf %gather3A, %get3A_388 : vector<16xf32>
      %add3A_451 = arith.addf %mul3A_450, %get3A_392 : vector<16xf32>
      %swap3A = arith.index_cast %add3A_449 : i32 to index
      %swap3A_452 = arith.constant 0 : index
      %swap3A_453 = tpu.vector_load %arg10[%swap3A, %swap3A_452] {strides = array<i32>} : memref<2496x32xf32, #tpu.memory_space<vmem>>, vector<16xf32>,
      tpu.vector_store %arg10[%swap3A, %swap3A_452], %add3A_451 {strides = array<i32>} : memref<2496x32xf32, #tpu.memory_space<vmem>>, vector<16xf32>,
      %mul3A_454 = arith.mulf %gather3A, %get3A_390 : vector<16xf32>
      %add3A_455 = arith.addf %mul3A_454, %get3A_394 : vector<16xf32>
      %swap3A_456 = arith.index_cast %add3A_449 : i32 to index
      %swap3A_457 = arith.constant 16 : index
      %swap3A_458 = tpu.vector_load %arg10[%swap3A_456, %swap3A_457] {strides = array<i32>} : memref<2496x32xf32, #tpu.memory_space<vmem>>, vector<16xf32>,
      tpu.vector_store %arg10[%swap3A_456, %swap3A_457], %add3A_455 {strides = array<i32>} : memref<2496x32xf32, #tpu.memory_space<vmem>>, vector<16xf32>,
      %scan3A_459 = arith.constant 0 : i32
      scf.yield %scan3A_459 : i32
    }
    %scan3A_401 = arith.constant 64 : i32
    %get3A_402 = arith.constant 352 : index
    %get3A_403 = tpu.vector_load %arg12[%get3A_402] {strides = array<i32>} : memref<416xf32, #tpu.memory_space<vmem>>, vector<16xf32>,
    %get3A_404 = arith.constant 368 : index
    %get3A_405 = tpu.vector_load %arg12[%get3A_404] {strides = array<i32>} : memref<416xf32, #tpu.memory_space<vmem>>, vector<16xf32>,
    %get3A_406 = arith.constant 352 : index
    %get3A_407 = tpu.vector_load %arg13[%get3A_406] {strides = array<i32>} : memref<416xf32, #tpu.memory_space<vmem>>, vector<16xf32>,
    %get3A_408 = arith.constant 368 : index
    %get3A_409 = tpu.vector_load %arg13[%get3A_408] {strides = array<i32>} : memref<416xf32, #tpu.memory_space<vmem>>, vector<16xf32>,
    %scan3A_410 = arith.constant 0 : i32
    %scan3A_411 = arith.constant 0 : i32
    %scan3A_412 = arith.constant 64 : i32
    %scan3A_413 = arith.addi %scan3A_411, %scan3A_412 : i32
    %scan3A_414 = arith.constant 1 : i32
    %scan3A_415 = scf.for %scan3A_437 = %scan3A_411 to %scan3A_413 step %scan3A_414 iter_args(%scan3A_438 = %scan3A_410) -> (i32)  : i32 {
      %mul3A_439 = arith.constant 13 : i32
      %mul3A_440 = arith.muli %scan3A_437, %mul3A_439 : i32
      %add3A_441 = arith.constant 11 : i32
      %add3A_442 = arith.addi %mul3A_440, %add3A_441 : i32
      %broadcast_in_dim3A_443 = vector.broadcast %add3A_442 : i32 to vector<16xi32>
      %gather3A = tpu.vector_load_idx %arg11[%broadcast_in_dim3A_443] : memref<832xf32, #tpu.memory_space<vmem>>[vector<16xi32>], vector<16xf32>,
      %mul3A_444 = arith.constant 39 : i32
      %mul3A_445 = arith.muli %scan3A_437, %mul3A_444 : i32
      %add3A_446 = arith.constant 26 : i32
      %add3A_447 = arith.addi %mul3A_445, %add3A_446 : i32
      %add3A_448 = arith.constant 11 : i32
      %add3A_449 = arith.addi %add3A_447, %add3A_448 : i32
      %mul3A_450 = arith.mulf %gather3A, %get3A_403 : vector<16xf32>
      %add3A_451 = arith.addf %mul3A_450, %get3A_407 : vector<16xf32>
      %swap3A = arith.index_cast %add3A_449 : i32 to index
      %swap3A_452 = arith.constant 0 : index
      %swap3A_453 = tpu.vector_load %arg10[%swap3A, %swap3A_452] {strides = array<i32>} : memref<2496x32xf32, #tpu.memory_space<vmem>>, vector<16xf32>,
      tpu.vector_store %arg10[%swap3A, %swap3A_452], %add3A_451 {strides = array<i32>} : memref<2496x32xf32, #tpu.memory_space<vmem>>, vector<16xf32>,
      %mul3A_454 = arith.mulf %gather3A, %get3A_405 : vector<16xf32>
      %add3A_455 = arith.addf %mul3A_454, %get3A_409 : vector<16xf32>
      %swap3A_456 = arith.index_cast %add3A_449 : i32 to index
      %swap3A_457 = arith.constant 16 : index
      %swap3A_458 = tpu.vector_load %arg10[%swap3A_456, %swap3A_457] {strides = array<i32>} : memref<2496x32xf32, #tpu.memory_space<vmem>>, vector<16xf32>,
      tpu.vector_store %arg10[%swap3A_456, %swap3A_457], %add3A_455 {strides = array<i32>} : memref<2496x32xf32, #tpu.memory_space<vmem>>, vector<16xf32>,
      %scan3A_459 = arith.constant 0 : i32
      scf.yield %scan3A_459 : i32
    }
    %scan3A_416 = arith.constant 64 : i32
    %get3A_417 = arith.constant 384 : index
    %get3A_418 = tpu.vector_load %arg12[%get3A_417] {strides = array<i32>} : memref<416xf32, #tpu.memory_space<vmem>>, vector<16xf32>,
    %get3A_419 = arith.constant 400 : index
    %get3A_420 = tpu.vector_load %arg12[%get3A_419] {strides = array<i32>} : memref<416xf32, #tpu.memory_space<vmem>>, vector<16xf32>,
    %get3A_421 = arith.constant 384 : index
    %get3A_422 = tpu.vector_load %arg13[%get3A_421] {strides = array<i32>} : memref<416xf32, #tpu.memory_space<vmem>>, vector<16xf32>,
    %get3A_423 = arith.constant 400 : index
    %get3A_424 = tpu.vector_load %arg13[%get3A_423] {strides = array<i32>} : memref<416xf32, #tpu.memory_space<vmem>>, vector<16xf32>,
    %scan3A_425 = arith.constant 0 : i32
    %scan3A_426 = arith.constant 0 : i32
    %scan3A_427 = arith.constant 64 : i32
    %scan3A_428 = arith.addi %scan3A_426, %scan3A_427 : i32
    %scan3A_429 = arith.constant 1 : i32
    %scan3A_430 = scf.for %scan3A_437 = %scan3A_426 to %scan3A_428 step %scan3A_429 iter_args(%scan3A_438 = %scan3A_425) -> (i32)  : i32 {
      %mul3A_439 = arith.constant 13 : i32
      %mul3A_440 = arith.muli %scan3A_437, %mul3A_439 : i32
      %add3A_441 = arith.constant 12 : i32
      %add3A_442 = arith.addi %mul3A_440, %add3A_441 : i32
      %broadcast_in_dim3A_443 = vector.broadcast %add3A_442 : i32 to vector<16xi32>
      %gather3A = tpu.vector_load_idx %arg11[%broadcast_in_dim3A_443] : memref<832xf32, #tpu.memory_space<vmem>>[vector<16xi32>], vector<16xf32>,
      %mul3A_444 = arith.constant 39 : i32
      %mul3A_445 = arith.muli %scan3A_437, %mul3A_444 : i32
      %add3A_446 = arith.constant 26 : i32
      %add3A_447 = arith.addi %mul3A_445, %add3A_446 : i32
      %add3A_448 = arith.constant 12 : i32
      %add3A_449 = arith.addi %add3A_447, %add3A_448 : i32
      %mul3A_450 = arith.mulf %gather3A, %get3A_418 : vector<16xf32>
      %add3A_451 = arith.addf %mul3A_450, %get3A_422 : vector<16xf32>
      %swap3A = arith.index_cast %add3A_449 : i32 to index
      %swap3A_452 = arith.constant 0 : index
      %swap3A_453 = tpu.vector_load %arg10[%swap3A, %swap3A_452] {strides = array<i32>} : memref<2496x32xf32, #tpu.memory_space<vmem>>, vector<16xf32>,
      tpu.vector_store %arg10[%swap3A, %swap3A_452], %add3A_451 {strides = array<i32>} : memref<2496x32xf32, #tpu.memory_space<vmem>>, vector<16xf32>,
      %mul3A_454 = arith.mulf %gather3A, %get3A_420 : vector<16xf32>
      %add3A_455 = arith.addf %mul3A_454, %get3A_424 : vector<16xf32>
      %swap3A_456 = arith.index_cast %add3A_449 : i32 to index
      %swap3A_457 = arith.constant 16 : index
      %swap3A_458 = tpu.vector_load %arg10[%swap3A_456, %swap3A_457] {strides = array<i32>} : memref<2496x32xf32, #tpu.memory_space<vmem>>, vector<16xf32>,
      tpu.vector_store %arg10[%swap3A_456, %swap3A_457], %add3A_455 {strides = array<i32>} : memref<2496x32xf32, #tpu.memory_space<vmem>>, vector<16xf32>,
      %scan3A_459 = arith.constant 0 : i32
      scf.yield %scan3A_459 : i32
    }
    %scan3A_431 = arith.constant 64 : i32
    %dma_wait3A_432 = arith.constant 0 : i32
    %dma_wait3A_433 = arith.constant 0 : i32
    %dma_wait3A_434 = tpu.memref_slice %arg4[%dma_wait3A_432, %dma_wait3A_433] : memref<2600000x32xf32, #tpu.memory_space<hbm>> -> memref<2600000x32xf32, #tpu.memory_space<hbm>>
    tpu.wait_indirect_dma semaphore(%arg14 : memref<!tpu.dma_semaphore, #tpu.memory_space<semaphore_mem>>) src(%dma_wait3A_434 : memref<2600000x32xf32, #tpu.memory_space<hbm>>) dst(%arg10 : memref<2496x32xf32, #tpu.memory_space<vmem>>)
    %mul3A_435 = arith.constant 39 : i32
    %mul3A_436 = arith.muli %add3A_219, %mul3A_435 : i32
    "tpu.region"() ({
      %run_scoped3A = tpu.sem_alloc : memref<!tpu.dma_semaphore, #tpu.memory_space<semaphore_mem>>
      %dma_start3A_437 = arith.constant 0 : i32
      %dma_start3A_438 = tpu.memref_slice %arg7[%mul3A_436, %dma_start3A_437] : memref<159744x32xf32, #tpu.memory_space<hbm>> -> memref<2496x32xf32, #tpu.memory_space<hbm>>
      %dma_start3A_439 = arith.constant 0 : i32
      %dma_start3A_440 = tpu.memref_slice %arg7[%mul3A_436, %dma_start3A_439] : memref<159744x32xf32, #tpu.memory_space<hbm>> -> memref<2496x32xf32, #tpu.memory_space<hbm>>
      tpu.enqueue_dma source(%arg10 : memref<2496x32xf32, #tpu.memory_space<vmem>>) target(%dma_start3A_440 : memref<2496x32xf32, #tpu.memory_space<hbm>>) target_semaphore(%run_scoped3A : memref<!tpu.dma_semaphore, #tpu.memory_space<semaphore_mem>>)
      %dma_wait3A_441 = arith.constant 0 : i32
      %dma_wait3A_442 = tpu.memref_slice %arg7[%mul3A_436, %dma_wait3A_441] : memref<159744x32xf32, #tpu.memory_space<hbm>> -> memref<2496x32xf32, #tpu.memory_space<hbm>>
      %dma_wait3A_443 = arith.constant 0 : i32
      %dma_wait3A_444 = tpu.memref_slice %arg7[%mul3A_436, %dma_wait3A_443] : memref<159744x32xf32, #tpu.memory_space<hbm>> -> memref<2496x32xf32, #tpu.memory_space<hbm>>
      tpu.wait_dma2 semaphore(%run_scoped3A : memref<!tpu.dma_semaphore, #tpu.memory_space<semaphore_mem>>) src(%arg10 : memref<2496x32xf32, #tpu.memory_space<vmem>>) dst(%dma_wait3A_444 : memref<2496x32xf32, #tpu.memory_space<hbm>>)
      tpu.yield
    }) : () -> ()
    return
  }
}

</mosaic_0001>

<sc_bundles>
// kernel: kernel.3.cloned.1.call-start
scs
__scs_entry_jumppad:
0x0: {  	(pc) =	sbr.rel $0x88, $3  }
0x1: {  	(tag) =	ssettag $0x0;
	lr =	simm.s32 $0x1  }
0x2: {  	[smem:$0x3F9C] =	sst lr;
	_ =	strace $0xD0000000  }
0x3: {  	_ = 	snop  }
0x4: {  	_ = 	snop  }
0x5: {  	_ = 	snop  }
0x6: {  	_ = 	snop  }
0x7: {  	_ = 	snop  }
__scs_overlays_trampoline_lowered:
0x8: {  	[smem:$0x3FAB] =	sst s0  }
0x9: {  	[smem:$0x3FAC] =	sst s1  }
0xa: {  	[smem:$0x3FAD] =	sst s2  }
0xb: {  	[smem:$0x3FAE] =	sst s3  }
0xc: {  	[smem:$0x3FAF] =	sst s4  }
0xd: {  	[smem:$0x3FB0] =	sst s5  }
0xe: {  	[smem:$0x3FB1] =	sst s6  }
0xf: {  	[smem:$0x3FB2] =	sst s7  }
0x10: {  	[smem:$0x3FB3] =	sst s8  }
0x11: {  	[smem:$0x3FB4] =	sst s9;
	s0 =	simm.s32 @!p0 $0x0  }
0x12: {  	s1 =	sld [smem:$0x3F9A];
	s0 =	simm.s32 @p0 $0x1  }
0x13: {  	[smem:$0x3FB5] =	sst s0;
	s0 =	simm.s32 @!p1 $0x0  }
0x14: {  	s2 =	sld [smem:$0x3F99];
	s0 =	simm.s32 @p1 $0x1  }
0x15: {  	[smem:$0x3FB6] =	sst s0;
	s0 =	simm.s32 @!p2 $0x0  }
0x16: {  	s3 =	sld [smem:$0x3FDB];
	s0 =	simm.s32 @p2 $0x1  }
0x17: {  	s4 =	simm.s32 $0x1BF5;
	[smem:$0x3FB8] =	sst s0  }
0x18: {  	s0 =	sld [smem:$0x3F9B];
	_ =	swait.ge [sflag:s4], $0x0  }
0x19: {  	s7 =	sld [smem:$0x3F9C]  }
0x1a: {  	s8 =	sadd.s32 $0xFFFFE003, lr  }
0x1b: {  	s9 =	sadd.s32 $0xFFFFFEF7, lr;
	s5 =	simm.s32 $0xFFFFFFFF;
	p2 =	slt.u32 s8, $0xFFFFF086  }
0x1c: {  	p1 =	slt.u32 s9, $0xF7A;
	s5 =	simm.s32 @!p2 $0x0  }
0x1d: {  	s5 =	simm.s32 @p1 $0x1;
	p0 =	seq.s32 s7, s2  }
0x1e: {  	s7 =	smul.u32 @!p0 $0xF7A, s2;
	p2 =	seq.s32 @!p0 s5, $0x0  }
0x1f: {  	s9 =	smul.u32 $0xF7A, s1;
	s8 =	simm.s32 @!p0 $0x1BF5;
	p2 =	por !p2, p0  }
0x20: {  	[sflag:s8] =	ssyncset.s32 @!p0 $0xFFFFF086;
	s6 =	sadd.s32 @!p0 s3, s7;
	s7 =	simm.s32 @!p0 $0x108  }
0x21: {  	s3 =	sadd.s32 s3, s9;
	s6 =	sadd.s32 @!p0 $0x88, s6;
	s7 =	simm.s32 @p2 $0x1082  }
0x22: {  	[simem:s7], [sflag:s8] =	dma.local @!p0 [hbm:s6], $0xF7A  }
0x23: {  	s9 =	sor.u32 $0xD0000000, s2;
	s6 =	simm.s32 $0x108;
	_ =	swait.ge @!p0 [sflag:s8], $0x0  }
0x24: {  	s3 =	sadd.s32 $0x88, s3;
	s6 =	simm.s32 @!p1 $0x1082;
	[sflag:s4] =	ssyncset.s32 $0xFFFFF086  }
0x25: {  	[simem:s6], [sflag:s4] =	dma.local [hbm:s3], $0xF7A  }
0x26: {  	[smem:$0x3F9C] =	sst s1;
	(tag) =	ssettag s2;
	_ =	strace s9  }
0x27: {  	s1 =	sld [smem:$0x3FAC]  }
0x28: {  	s2 =	sld [smem:$0x3FAD]  }
0x29: {  	s4 =	sld [smem:$0x3FAF]  }
0x2a: {  	p0 =	seq.s32 s5, $0x0;
	s5 =	sld [smem:$0x3FB0]  }
0x2b: {  	s6 =	sld [smem:$0x3FB1]  }
0x2c: {  	s7 =	sld [smem:$0x3FB2]  }
0x2d: {  	s3 =	simm.s32 $0x108;
	s8 =	sld [smem:$0x3FB3]  }
0x2e: {  	s3 =	simm.s32 @!p0 $0x1082;
	s9 =	sld [smem:$0x3FB4]  }
0x2f: {  	lr =	sadd.s32 s0, s3;
	s0 =	sld [smem:$0x3FAB]  }
0x30: {  	s3 =	sld [smem:$0x3FAE]  }
0x31: {  	[smem:$0x3FB7] =	sst s10  }
0x32: {  	s10 =	sld [smem:$0x3FB5];
	_ =	sdelay $0x3  }
0x33: {  	p0 =	seq.s32 s10, $0x1;
	s10 =	sld [smem:$0x3FB7];
	_ =	sdelay $0x3  }
0x34: {  	[smem:$0x3FB7] =	sst s10  }
0x35: {  	s10 =	sld [smem:$0x3FB6];
	_ =	sdelay $0x3  }
0x36: {  	p1 =	seq.s32 s10, $0x1;
	s10 =	sld [smem:$0x3FB7];
	_ =	sdelay $0x3  }
0x37: {  	[smem:$0x3FB7] =	sst s10  }
0x38: {  	s10 =	sld [smem:$0x3FB8]  }
0x39: {  	_ = 	snop;
	(pc) =	sbr.ind lr, $3  }
0x3a: {  	_ = 	snop  }
0x3b: {  	_ = 	snop  }
0x3c: {  	p2 =	seq.s32 s10, $0x1;
	s10 =	sld [smem:$0x3FB7]  }
0x3d: {  	_ =	shalt  }
0x3e: {  	_ =	shalt  }
0x3f: {  	_ =	shalt  }
0x40: {  	_ =	shalt  }
0x41: {  	_ =	shalt  }
0x42: {  	_ =	shalt  }
0x43: {  	_ =	shalt  }
0x44: {  	_ =	shalt  }
0x45: {  	_ =	shalt  }
0x46: {  	_ =	shalt  }
0x47: {  	_ =	shalt  }
0x48: {  	_ =	shalt  }
0x49: {  	_ =	shalt  }
0x4a: {  	_ =	shalt  }
0x4b: {  	_ =	shalt  }
0x4c: {  	_ =	shalt  }
0x4d: {  	_ =	shalt  }
0x4e: {  	_ =	shalt  }
0x4f: {  	_ =	shalt  }
0x50: {  	_ =	shalt  }
0x51: {  	_ =	shalt  }
0x52: {  	_ =	shalt  }
0x53: {  	_ =	shalt  }
0x54: {  	_ =	shalt  }
0x55: {  	_ =	shalt  }
0x56: {  	_ =	shalt  }
0x57: {  	_ =	shalt  }
0x58: {  	_ =	shalt  }
0x59: {  	_ =	shalt  }
0x5a: {  	_ =	shalt  }
0x5b: {  	_ =	shalt  }
0x5c: {  	_ =	shalt  }
0x5d: {  	_ =	shalt  }
0x5e: {  	_ =	shalt  }
0x5f: {  	_ =	shalt  }
0x60: {  	_ =	shalt  }
0x61: {  	_ =	shalt  }
0x62: {  	_ =	shalt  }
0x63: {  	_ =	shalt  }
0x64: {  	_ =	shalt  }
0x65: {  	_ =	shalt  }
0x66: {  	_ =	shalt  }
0x67: {  	_ =	shalt  }
0x68: {  	_ =	shalt  }
0x69: {  	_ =	shalt  }
0x6a: {  	_ =	shalt  }
0x6b: {  	_ =	shalt  }
0x6c: {  	_ =	shalt  }
0x6d: {  	_ =	shalt  }
0x6e: {  	_ =	shalt  }
0x6f: {  	_ =	shalt  }
0x70: {  	_ =	shalt  }
0x71: {  	_ =	shalt  }
0x72: {  	_ =	shalt  }
0x73: {  	_ =	shalt  }
0x74: {  	_ =	shalt  }
0x75: {  	_ =	shalt  }
0x76: {  	_ =	shalt  }
0x77: {  	_ =	shalt  }
0x78: {  	_ =	shalt  }
0x79: {  	_ =	shalt  }
0x7a: {  	_ =	shalt  }
0x7b: {  	_ =	shalt  }
0x7c: {  	_ =	shalt  }
0x7d: {  	_ =	shalt  }
0x7e: {  	_ =	shalt  }
0x7f: {  	_ =	shalt  }
0x80: {  	_ =	shalt  }
0x81: {  	_ =	shalt  }
0x82: {  	_ =	shalt  }
0x83: {  	_ =	shalt  }
0x84: {  	_ =	shalt  }
0x85: {  	_ =	shalt  }
0x86: {  	_ =	shalt  }
0x87: {  	_ =	shalt  }
.Lfunc_end0:
.L_simem_size_0:
called_computation_lowered:
.L_overlay_start_0:
0x88: {  	s2 =	sld [smem:$0x3FD9]  }
0x89: {  	s3 =	sld [smem:$0x3FFE];
	_ =	sdelay $0x1  }
0x8a: {  	s1 =	srdreg.scid  }
0x8b: {  	s0 =	sand.u32 $0x1, s1  }
0x8c: {  	s17 =	sshll.u32 s0, $0xA;
	s2 =	sadd.s32 s3, s2  }
0x8d: {  	s2 =	sadd.s32 s2, s17  }
0x8e: {  	[smem:$0x3FC3] =	sst s2  }
0x8f: {  	_ = 	snop  }
0x90: {  	s2 =	sld [smem:$0x3FD0];
	(tm) =	ssettm $0x1  }
0x91: {  	s18 =	sld [smem:$0x3FFB];
	_ =	sdelay $0x3  }
0x92: {  	_ =	strace s18  }
0x93: {  	s3 =	sld [smem:$0x3FFC];
	_ =	sdelay $0x3  }
0x94: {  	_ =	strace s3  }
0x95: {  	s3 =	sld [smem:$0x3FFD];
	_ =	sdelay $0x3  }
0x96: {  	_ =	strace s3  }
0x97: {  	_ =	strace $0x8FFFFFFF  }
0x98: {  	s19 =	sld [smem:$0x3FDB];
	_ =	sdelay $0x1  }
0x99: {  	s4 =	simm.s32 $_scs_section_size  }
0x9a: {  	s5 =	simm.s32 $_size__tile_overlayer_lowered;
	s6 =	simm.s32 $_tile_overlayer_lowered  }
0x9b: {  	s22 =	simm.s32 $0x1BFF;
	s21 =	sshll.u32 s6, $0x1;
	s3 =	sadd.s32 s4, s19  }
0x9c: {  	s7 =	simm.s32 $0x0;
	s20 =	sshll.u32 s5, $0x1;
	s5 =	sadd.s32 s21, s3  }
0x9d: {  	[timem:s7], [sflag:s22] =	dma.local [hbm:s5], s20  }
0x9e: {  	_ =	swait.ge [sflag:s22], s20  }
0x9f: {  	s4 =	ssub.s32 $0x0, s20;
	[sflag:s22] =	ssyncset.done $0x0  }
0xa0: {  	[sflag:s22] =	ssyncadd.s32 s4;
	_ =	sdelay $0x1  }
0xa1: {  	s23 =	simm.s32 $0x1B8B  }
0xa2: {  	_ =	swait.ge [sflag:s23], $0x1  }
0xa3: {  	[sflag:s23] =	ssyncset.done $0x0  }
0xa4: {  	s25 =	simm.s32 $0x1B8E;
	s24 =	sld [smem:$0x3FFE];
	[sflag:s23] =	ssyncadd.s32 $0xFFFFFFFF  }
0xa5: {  	s26 =	simm.s32 $execute0_lowered;
	[smem:$0x3FD2] =	sst s25  }
0xa6: {  	s5 =	sshll.u32 s26, $0x1;
	_ =	strace $0x80000046;
	[dreg:$0x1] =	wrdreg $0xFFFFFFFF  }
0xa7: {  	s28 =	simm.s32 $_size_execute0_lowered;
	s3 =	sadd.s32 s3, s5;
	[dreg:$0x0] =	wrdreg $0x0  }
0xa8: {  	s5 =	sshll.u32 s28, $0x1;
	[dreg:$0x2] =	wrdreg s3  }
0xa9: {  	[dreg:$0x3] =	wrdreg s5  }
0xaa: {  	[dreg:$0x4] =	wrdreg $0xC0  }
0xab: {  	_ =	task [dreg:s7], $0x5FFFF  }
0xac: {  	[dreg:$0x1] =	wrdreg $0xFFFFFFFF  }
0xad: {  	[dreg:$0x0] =	wrdreg $0x60  }
0xae: {  	[dreg:$0x2] =	wrdreg s24  }
0xaf: {  	[dreg:$0x3] =	wrdreg s2  }
0xb0: {  	[dreg:$0x4] =	wrdreg $0x9  }
0xb1: {  	_ =	task.clear_ibuf [dreg:s7], $0x5FFFF;
	_ =	strace $0x90000046  }
0xb2: {  	s29 =	simm.s32 $0x9;
	_ =	strace $0x80000048  }
0xb3: {  	_ =	swait.ge [sflag:s29], $0x1  }
0xb4: {  	[sflag:s29] =	ssyncadd.s32 $0xFFFFFFFF  }
0xb5: {  	_ =	strace $0x90000048  }
0xb6: {  	_ =	sfence  }
0xb7: {  	s30 =	sld [smem:$0x0];
	_ =	sdelay $0x2  }
0xb8: {  	s31 =	sshll.u32 s1, $0xD;
	s1 =	sshrl.u32 s1, $0x2  }
0xb9: {  	s3 =	sand.u32 $0x4000, s31;
	s1 =	sadd.s32 s1, s30  }
0xba: {  	s0 =	sor.u32 s3, s0;
	s1 =	sshll.u32 s1, $0x11  }
0xbb: {  	s0 =	sor.u32 s1, s0  }
0xbc: {  	s0 =	sadd.s32 $0x8F2B, s0  }
0xbd: {  	[sflag:s0] =	ssyncadd.remote.s32 $0x1  }
0xbe: {  	_ =	sfence.sel $0xFFFF  }
0xbf: {  	[dreg:$0x0] =	wrdreg $0xFFFFFFFF;
	(pc) =	sbr.abs _section_cstart, $3  }
0xc0: {  	[dreg:$0x1] =	wrdreg $0xFFFFFFFF  }
0xc1: {  	_ =	task.clear_ibuf [dreg:s7], $0x2FFFF;
	_ =	strace $0x9FFFFFFF  }
0xc2: {  	(tm) =	ssettm $0x7FFFFFFF  }
0xc3: {  	_ =	shalt  }
tec
execute0_lowered:
.L_overlay_start_1:
0x0: {  	(tag) =	ssettag $0x1  }
0x1: {  	s5 =	rddreg [dreg:$0x0]  }
0x2: {  	s11 =	rddreg [dreg:$0x1]  }
0x3: {  	s0 =	rddreg [dreg:$0x2]  }
0x4: {  	s2 =	simm.s32 $0x0;
	s3 =	srdreg.scid;
	s1 =	stileid.u32  }
0x5: {  	s18 =	simm.s32 $0x680;
	s19 =	simm.s32 $0x1040;
	s20 =	simm.s32 $0x1  }
0x6: {  	s21 =	simm.s32 $0x0;
	s6 =	sand.u32 $0x1, s3;
	s28 =	sshll.u32 s1, $0x1  }
0x7: {  	[smem:$0x7FF] =	sst s2;
	s9 =	sadd.s32 $0xC00, s5;
	s7 =	sor.u32 s6, s28  }
0x8: {  	s10 =	sadd.s32 $0x4000, s5;
	s3 =	sadd.s32 $0x27AD000, s5;
	s8 =	smul.u32 $0x1A0, s7  }
0x9: {  	s4 =	sadd.s32 $0x5C00, s5;
	s12 =	smul.u32 $0xD0, s7;
	s13 =	sshll.u32 s7, $0x7  }
0xa: {  	s6 =	ssub.s32 $0x2, s6;
	s14 =	smul.u32 $0x4E00, s7;
	s13 =	sor.u32 $0x40, s13  }
0xb: {  	s5 =	sadd.s32 $0x5A00, s5;
	s29 =	sshrl.u32 s6, $0x1;
	s15 =	smul.u32 $0x1A, s13  }
0xc: {  	_ =	strace $0x80000047;
	s16 =	ssub.s32 s6, s29;
	s17 =	smul.u32 $0xD, s13  }
0xd: {  	s6 =	sadd.s32 s9, s8;
	s7 =	sadd.s32 s10, s12;
	s13 =	smul.u32 $0x9C, s13  }
0xe: {  	s8 =	sadd.s32 s11, s14;
	s12 =	smax.u32 s16, $0x1;
	s14 =	simm.s32 $0x2  }
0xf: {  	s16 =	simm.s32 $0x14840;
	s30 =	sshrl.u32 s15, $0x3;
	s31 =	sshrl.u32 s17, $0x3  }
0x10: {  	s11 =	sadd.s32 s11, s13;
	s13 =	simm.s32 $0x14B80;
	s15 =	simm.s32 $0x14D20  }
0x11: {  	v0 =	vimm.s32 $0xFFFFFFE6;
	v1 =	vimm.s32 $0x0;
	s17 =	simm.s32 $0x9C0;
	s9 =	sadd.s32 s9, s30;
	s10 =	sadd.s32 s10, s31  }
.LBB2_1:
0x12: {  	[tilespmem:s13], [sflag:$0x2] =	stream.linear.gather [hbm4b:s4+s2], $0x1A0, $0x38;
	[tilespmem:$0x14EC0] =	vst v63  }
0x13: {  	_ =	swait.ge [sflag:s14], $0x1A0  }
0x14: {  	[sflag:s14] =	ssyncset.done $0x0  }
0x15: {  	[sflag:s14] =	ssyncadd.s32 $0xFFFFFE60  }
0x16: {  	[tilespmem:s15], [sflag:$0x2] =	stream.linear.gather [hbm4b:s5+s2], $0x1A0, $0x38;
	[tilespmem:$0x14EC0] =	vst v63  }
0x17: {  	_ =	swait.ge [sflag:s14], $0x1A0  }
0x18: {  	[sflag:s14] =	ssyncset.done $0x0  }
0x19: {  	v2 =	vlaneseq.u32;
	[sflag:s14] =	ssyncadd.s32 $0xFFFFFE60  }
0x1a: {  	vm0 =	vlt.s32 v2, $0x1A;
	[tilespmem:s2], [sflag:$0x2] =	stream.linear.gather [hbm4b:s6+s2], $0x680, $0x38;
	[tilespmem:$0x14EC0] =	vst v63  }
0x1b: {  	v4 =	vmul.u32 $0x1A, v1;
	v3 =	vsel vm0, $0x0, v0;
	_ =	swait.ge [sflag:s14], $0x680  }
0x1c: {  	v3 =	vadd.s32 v2, v3;
	[sflag:s14] =	ssyncset.done $0x0  }
0x1d: {  	v4 =	vadd.s32 v4, v3;
	[sflag:s14] =	ssyncadd.s32 $0xFFFFF980  }
0x1e: {  	[tilespmem:s16], [sflag:$0x2] =	stream.linear.gather [hbm4b:s7+s2], $0x340, $0x38;
	[tilespmem:$0x14EC0] =	vst v63  }
0x1f: {  	v5 =	vadd.s32 $0x10, v2;
	_ =	swait.ge [sflag:s14], $0x340  }
0x20: {  	vm1 =	vgt.s32 v5, $0x26;
	v2 =	vadd.s32 $0xFFFFFFE9, v2;
	[sflag:s14] =	ssyncset.done $0x0  }
0x21: {  	v7 =	vsel vm1, v2, v5;
	v2 =	vsel vm1, $0x1, v1;
	[sflag:s14] =	ssyncadd.s32 $0xFFFFFCC0  }
0x22: {  	vm1 =	vlt.s32 v7, $0x1A;
	v2 =	vadd.s32 v2, v1;
	v6 =	vld.idx.msk [tilespmem:v4+s2+$0x0], $0xffff  }
0x23: {  	v5 =	vmul.u32 $0x1A, v2;
	v4 =	vsel vm1, $0x0, v0  }
0x24: {  	v8 =	vmul.u32 $0x186A0, v3;
	v3 =	vadd.s32 v7, v4  }
0x25: {  	v5 =	vadd.s32 v5, v3;
	_ =	sdelay $0x1  }
0x26: {  	vm0 =	vmmov vm0;
	v4 =	vadd.s32 $0xFFFFFFE9, v7;
	v8 =	vadd.s32 v8, v6  }
0x27: {  	s22 =	simm.s32 $0x40;
	s23 =	simm.s32 $0x80;
	s24 =	simm.s32 $0x0;
	v6 =	vadd.s32 $0x10, v7;
	v7 =	vnsel vm0, $0xFFFFFFFF, v8;
	vm0 =	vmmov vm1  }
.LBB2_2:
0x28: {  	p0 =	sne.s32 s23, $0x26C0;
	vm1 =	vgt.s32 v6, $0x26;
	[tilespmem:s24+$0x680] =	vst v7;
	s25 =	smov.u32 s23;
	s23 =	sadd.s32 $0x40, s23  }
0x29: {  	v7 =	vld.idx.msk [tilespmem:v5+s2+$0x0], $0xffff;
	v6 =	vsel vm1, v4, v6;
	v5 =	vsel vm1, $0x1, v1  }
0x2a: {  	vm1 =	vlt.s32 v6, $0x1A;
	v4 =	vadd.s32 $0xFFFFFFE9, v6;
	v2 =	vadd.s32 v5, v2  }
0x2b: {  	v5 =	vsel vm1, $0x0, v0;
	v8 =	vmul.u32 $0x1A, v2  }
.Ltmp0:
0x2c: {  	v9 =	vadd.s32 v6, v5;
	(pc) =	sbr.rel @p0 .LBB2_2-.Ltmp0, $3  }
0x2d: {  	v5 =	vadd.s32 v8, v9;
	v8 =	vmul.u32 $0x186A0, v3;
	v3 =	vmov v9;
	_ =	sdelay $0x1  }
0x2e: {  	v7 =	vadd.s32 v8, v7  }
0x2f: {  	s24 =	sshra.s32 s22, $0x2;
	s22 =	smov.u32 s25;
	v6 =	vadd.s32 $0x10, v6;
	v7 =	vnsel vm0, $0xFFFFFFFF, v7;
	vm0 =	vmmov vm1  }
0x30: {  	_ =	sdelay $0x2  }
0x31: {  	[tilespmem:s24+$0x680] =	vst v7  }
0x32: {  	v2 =	vld.idx.msk [tilespmem:v5+s2+$0x0], $0xffff;
	_ =	sdelay $0x2  }
0x33: {  	v3 =	vmul.u32 $0x186A0, v3;
	_ =	sdelay $0x1  }
0x34: {  	v2 =	vadd.s32 v3, v2  }
0x35: {  	s22 =	sshra.s32 s22, $0x2;
	s23 =	simm.s32 $0x0;
	v2 =	vnsel vm0, $0xFFFFFFFF, v2  }
0x36: {  	[tilespmem:s22+$0x680] =	vst v2;
	v2 =	vmov s23  }
0x37: {  	(ifvalue) =	ssetifvalue $0xFFFFFFFF  }
0x38: {  	(ifvalue) =	ssetifvalue $0xFFFFFFFF  }
0x39: {  	[tilespmem:s19], [sflag:$0x1] =	stream.indirect.gather [hbm4b:s3+s17], $0x20, s18, s17, $0x40b8;
	[tilespmem:$0x14EC0] =	vst v63  }
0x3a: {  	v3 =	vld [tilespmem:$0x14B80]  }
0x3b: {  	v6 =	vld.idx.msk [tilespmem:v2+s16+$0x0], $0xffff  }
0x3c: {  	v5 =	vld [tilespmem:$0x14B90]  }
0x3d: {  	v4 =	vld [tilespmem:$0x14D20]  }
0x3e: {  	v2 =	vld [tilespmem:$0x14D30];
	_ =	sdelay $0x1  }
0x3f: {  	s30 =	simm.s32 $0xD;
	v7 =	vmul.f32 v6, v3  }
0x40: {  	v8 =	vmov s30;
	v6 =	vmul.f32 v6, v5  }
0x41: {  	v7 =	vadd.f32 v7, v4  }
0x42: {  	s22 =	simm.s32 $0x1390;
	v6 =	vadd.f32 v6, v2  }
0x43: {  	[tilespmem:s22+$0xFFFFFFF0] =	vst v7  }
0x44: {  	[tilespmem:s22+$0x0] =	vst v6  }
0x45: {  	v6 =	vld.idx.msk [tilespmem:v8+s16+$0x0], $0xffff;
	_ =	sdelay $0x4  }
0x46: {  	s31 =	simm.s32 $0x1A;
	v7 =	vmul.f32 v6, v3;
	v8 =	vmul.f32 v6, v5  }
0x47: {  	s23 =	simm.s32 $0x27;
	v6 =	vmov s31  }
.LBB2_4:
0x48: {  	p0 =	sne.s32 s23, $0x333;
	v7 =	vadd.f32 v7, v4;
	v8 =	vadd.f32 v8, v2  }
0x49: {  	s22 =	sadd.s32 $0x4E0, s22  }
0x4a: {  	[tilespmem:s22+$0xFFFFFFF0] =	vst v7  }
0x4b: {  	[tilespmem:s22+$0x0] =	vst v8  }
0x4c: {  	v6 =	vld.idx.msk [tilespmem:v6+s16+$0x0], $0xffff;
	_ =	sdelay $0x2  }
.Ltmp1:
0x4d: {  	(pc) =	sbr.rel @p0 .LBB2_4-.Ltmp1, $3  }
0x4e: {  	_ =	sdelay $0x1  }
0x4f: {  	v7 =	vmul.f32 v6, v3;
	v8 =	vmul.f32 v6, v5  }
0x50: {  	v6 =	vmov s23;
	s23 =	sadd.s32 $0xD, s23  }
0x51: {  	v7 =	vadd.f32 v7, v4  }
0x52: {  	v8 =	vadd.f32 v8, v2;
	s22 =	sadd.s32 $0x4E0, s22  }
0x53: {  	[tilespmem:s22+$0xFFFFFFF0] =	vst v7  }
0x54: {  	[tilespmem:s22+$0x0] =	vst v8  }
0x55: {  	v6 =	vld.idx.msk [tilespmem:v6+s16+$0x0], $0xffff;
	_ =	sdelay $0x4  }
0x56: {  	v3 =	vmul.f32 v6, v3  }
0x57: {  	s23 =	simm.s32 $0x1;
	v5 =	vmul.f32 v6, v5  }
0x58: {  	v3 =	vadd.f32 v3, v4;
	v4 =	vmov s23  }
0x59: {  	s22 =	sadd.s32 $0x4E0, s22;
	v2 =	vadd.f32 v5, v2  }
0x5a: {  	[tilespmem:s22+$0xFFFFFFF0] =	vst v3  }
0x5b: {  	[tilespmem:s22+$0x0] =	vst v2  }
0x5c: {  	v3 =	vld [tilespmem:$0x14BA0]  }
0x5d: {  	v6 =	vld.idx.msk [tilespmem:v4+s16+$0x0], $0xffff  }
0x5e: {  	v5 =	vld [tilespmem:$0x14BB0]  }
0x5f: {  	v4 =	vld [tilespmem:$0x14D40]  }
0x60: {  	v2 =	vld [tilespmem:$0x14D50];
	_ =	sdelay $0x1  }
0x61: {  	s30 =	simm.s32 $0xE;
	v7 =	vmul.f32 v6, v3  }
0x62: {  	v8 =	vmov s30;
	v6 =	vmul.f32 v6, v5  }
0x63: {  	v7 =	vadd.f32 v7, v4  }
0x64: {  	s22 =	simm.s32 $0x13B0;
	v6 =	vadd.f32 v6, v2  }
0x65: {  	[tilespmem:s22+$0xFFFFFFF0] =	vst v7  }
0x66: {  	[tilespmem:s22+$0x0] =	vst v6  }
0x67: {  	v6 =	vld.idx.msk [tilespmem:v8+s16+$0x0], $0xffff;
	_ =	sdelay $0x4  }
0x68: {  	s31 =	simm.s32 $0x1B;
	v7 =	vmul.f32 v6, v3;
	v8 =	vmul.f32 v6, v5  }
0x69: {  	s23 =	simm.s32 $0x28;
	v6 =	vmov s31  }
.LBB2_6:
0x6a: {  	p0 =	sne.s32 s23, $0x334;
	v7 =	vadd.f32 v7, v4;
	v8 =	vadd.f32 v8, v2  }
0x6b: {  	s22 =	sadd.s32 $0x4E0, s22  }
0x6c: {  	[tilespmem:s22+$0xFFFFFFF0] =	vst v7  }
0x6d: {  	[tilespmem:s22+$0x0] =	vst v8  }
0x6e: {  	v6 =	vld.idx.msk [tilespmem:v6+s16+$0x0], $0xffff;
	_ =	sdelay $0x2  }
.Ltmp2:
0x6f: {  	(pc) =	sbr.rel @p0 .LBB2_6-.Ltmp2, $3  }
0x70: {  	_ =	sdelay $0x1  }
0x71: {  	v7 =	vmul.f32 v6, v3;
	v8 =	vmul.f32 v6, v5  }
0x72: {  	v6 =	vmov s23;
	s23 =	sadd.s32 $0xD, s23  }
0x73: {  	v7 =	vadd.f32 v7, v4  }
0x74: {  	v8 =	vadd.f32 v8, v2;
	s22 =	sadd.s32 $0x4E0, s22  }
0x75: {  	[tilespmem:s22+$0xFFFFFFF0] =	vst v7  }
0x76: {  	[tilespmem:s22+$0x0] =	vst v8  }
0x77: {  	v6 =	vld.idx.msk [tilespmem:v6+s16+$0x0], $0xffff;
	_ =	sdelay $0x4  }
0x78: {  	v3 =	vmul.f32 v6, v3  }
0x79: {  	s23 =	simm.s32 $0x2;
	v5 =	vmul.f32 v6, v5  }
0x7a: {  	v3 =	vadd.f32 v3, v4;
	v4 =	vmov s23  }
0x7b: {  	s22 =	sadd.s32 $0x4E0, s22;
	v2 =	vadd.f32 v5, v2  }
0x7c: {  	[tilespmem:s22+$0xFFFFFFF0] =	vst v3  }
0x7d: {  	[tilespmem:s22+$0x0] =	vst v2  }
0x7e: {  	v3 =	vld [tilespmem:$0x14BC0]  }
0x7f: {  	v6 =	vld.idx.msk [tilespmem:v4+s16+$0x0], $0xffff  }
0x80: {  	v5 =	vld [tilespmem:$0x14BD0]  }
0x81: {  	v4 =	vld [tilespmem:$0x14D60]  }
0x82: {  	v2 =	vld [tilespmem:$0x14D70];
	_ =	sdelay $0x1  }
0x83: {  	s30 =	simm.s32 $0xF;
	v7 =	vmul.f32 v6, v3  }
0x84: {  	v8 =	vmov s30;
	v6 =	vmul.f32 v6, v5  }
0x85: {  	v7 =	vadd.f32 v7, v4  }
0x86: {  	s22 =	simm.s32 $0x13D0;
	v6 =	vadd.f32 v6, v2  }
0x87: {  	[tilespmem:s22+$0xFFFFFFF0] =	vst v7  }
0x88: {  	[tilespmem:s22+$0x0] =	vst v6  }
0x89: {  	v6 =	vld.idx.msk [tilespmem:v8+s16+$0x0], $0xffff;
	_ =	sdelay $0x4  }
0x8a: {  	s31 =	simm.s32 $0x1C;
	v7 =	vmul.f32 v6, v3;
	v8 =	vmul.f32 v6, v5  }
0x8b: {  	s23 =	simm.s32 $0x29;
	v6 =	vmov s31  }
.LBB2_8:
0x8c: {  	p0 =	sne.s32 s23, $0x335;
	v7 =	vadd.f32 v7, v4;
	v8 =	vadd.f32 v8, v2  }
0x8d: {  	s22 =	sadd.s32 $0x4E0, s22  }
0x8e: {  	[tilespmem:s22+$0xFFFFFFF0] =	vst v7  }
0x8f: {  	[tilespmem:s22+$0x0] =	vst v8  }
0x90: {  	v6 =	vld.idx.msk [tilespmem:v6+s16+$0x0], $0xffff;
	_ =	sdelay $0x2  }
.Ltmp3:
0x91: {  	(pc) =	sbr.rel @p0 .LBB2_8-.Ltmp3, $3  }
0x92: {  	_ =	sdelay $0x1  }
0x93: {  	v7 =	vmul.f32 v6, v3;
	v8 =	vmul.f32 v6, v5  }
0x94: {  	v6 =	vmov s23;
	s23 =	sadd.s32 $0xD, s23  }
0x95: {  	v7 =	vadd.f32 v7, v4  }
0x96: {  	v8 =	vadd.f32 v8, v2;
	s22 =	sadd.s32 $0x4E0, s22  }
0x97: {  	[tilespmem:s22+$0xFFFFFFF0] =	vst v7  }
0x98: {  	[tilespmem:s22+$0x0] =	vst v8  }
0x99: {  	v6 =	vld.idx.msk [tilespmem:v6+s16+$0x0], $0xffff;
	_ =	sdelay $0x4  }
0x9a: {  	v3 =	vmul.f32 v6, v3  }
0x9b: {  	s23 =	simm.s32 $0x3;
	v5 =	vmul.f32 v6, v5  }
0x9c: {  	v3 =	vadd.f32 v3, v4;
	v4 =	vmov s23  }
0x9d: {  	s22 =	sadd.s32 $0x4E0, s22;
	v2 =	vadd.f32 v5, v2  }
0x9e: {  	[tilespmem:s22+$0xFFFFFFF0] =	vst v3  }
0x9f: {  	[tilespmem:s22+$0x0] =	vst v2  }
0xa0: {  	v3 =	vld [tilespmem:$0x14BE0]  }
0xa1: {  	v6 =	vld.idx.msk [tilespmem:v4+s16+$0x0], $0xffff  }
0xa2: {  	v5 =	vld [tilespmem:$0x14BF0]  }
0xa3: {  	v4 =	vld [tilespmem:$0x14D80]  }
0xa4: {  	v2 =	vld [tilespmem:$0x14D90];
	_ =	sdelay $0x1  }
0xa5: {  	s30 =	simm.s32 $0x10;
	v7 =	vmul.f32 v6, v3  }
0xa6: {  	v8 =	vmov s30;
	v6 =	vmul.f32 v6, v5  }
0xa7: {  	v7 =	vadd.f32 v7, v4  }
0xa8: {  	s22 =	simm.s32 $0x13F0;
	v6 =	vadd.f32 v6, v2  }
0xa9: {  	[tilespmem:s22+$0xFFFFFFF0] =	vst v7  }
0xaa: {  	[tilespmem:s22+$0x0] =	vst v6  }
0xab: {  	v6 =	vld.idx.msk [tilespmem:v8+s16+$0x0], $0xffff;
	_ =	sdelay $0x4  }
0xac: {  	s31 =	simm.s32 $0x1D;
	v7 =	vmul.f32 v6, v3;
	v8 =	vmul.f32 v6, v5  }
0xad: {  	s23 =	simm.s32 $0x2A;
	v6 =	vmov s31  }
.LBB2_10:
0xae: {  	p0 =	sne.s32 s23, $0x336;
	v7 =	vadd.f32 v7, v4;
	v8 =	vadd.f32 v8, v2  }
0xaf: {  	s22 =	sadd.s32 $0x4E0, s22  }
0xb0: {  	[tilespmem:s22+$0xFFFFFFF0] =	vst v7  }
0xb1: {  	[tilespmem:s22+$0x0] =	vst v8  }
0xb2: {  	v6 =	vld.idx.msk [tilespmem:v6+s16+$0x0], $0xffff;
	_ =	sdelay $0x2  }
.Ltmp4:
0xb3: {  	(pc) =	sbr.rel @p0 .LBB2_10-.Ltmp4, $3  }
0xb4: {  	_ =	sdelay $0x1  }
0xb5: {  	v7 =	vmul.f32 v6, v3;
	v8 =	vmul.f32 v6, v5  }
0xb6: {  	v6 =	vmov s23;
	s23 =	sadd.s32 $0xD, s23  }
0xb7: {  	v7 =	vadd.f32 v7, v4  }
0xb8: {  	v8 =	vadd.f32 v8, v2;
	s22 =	sadd.s32 $0x4E0, s22  }
0xb9: {  	[tilespmem:s22+$0xFFFFFFF0] =	vst v7  }
0xba: {  	[tilespmem:s22+$0x0] =	vst v8  }
0xbb: {  	v6 =	vld.idx.msk [tilespmem:v6+s16+$0x0], $0xffff;
	_ =	sdelay $0x4  }
0xbc: {  	v3 =	vmul.f32 v6, v3  }
0xbd: {  	s23 =	simm.s32 $0x4;
	v5 =	vmul.f32 v6, v5  }
0xbe: {  	v3 =	vadd.f32 v3, v4;
	v4 =	vmov s23  }
0xbf: {  	s22 =	sadd.s32 $0x4E0, s22;
	v2 =	vadd.f32 v5, v2  }
0xc0: {  	[tilespmem:s22+$0xFFFFFFF0] =	vst v3  }
0xc1: {  	[tilespmem:s22+$0x0] =	vst v2  }
0xc2: {  	v3 =	vld [tilespmem:$0x14C00]  }
0xc3: {  	v6 =	vld.idx.msk [tilespmem:v4+s16+$0x0], $0xffff  }
0xc4: {  	v5 =	vld [tilespmem:$0x14C10]  }
0xc5: {  	v4 =	vld [tilespmem:$0x14DA0]  }
0xc6: {  	v2 =	vld [tilespmem:$0x14DB0];
	_ =	sdelay $0x1  }
0xc7: {  	s30 =	simm.s32 $0x11;
	v7 =	vmul.f32 v6, v3  }
0xc8: {  	v8 =	vmov s30;
	v6 =	vmul.f32 v6, v5  }
0xc9: {  	v7 =	vadd.f32 v7, v4  }
0xca: {  	s22 =	simm.s32 $0x1410;
	v6 =	vadd.f32 v6, v2  }
0xcb: {  	[tilespmem:s22+$0xFFFFFFF0] =	vst v7  }
0xcc: {  	[tilespmem:s22+$0x0] =	vst v6  }
0xcd: {  	v6 =	vld.idx.msk [tilespmem:v8+s16+$0x0], $0xffff;
	_ =	sdelay $0x4  }
0xce: {  	s31 =	simm.s32 $0x1E;
	v7 =	vmul.f32 v6, v3;
	v8 =	vmul.f32 v6, v5  }
0xcf: {  	s23 =	simm.s32 $0x2B;
	v6 =	vmov s31  }
.LBB2_12:
0xd0: {  	p0 =	sne.s32 s23, $0x337;
	v7 =	vadd.f32 v7, v4;
	v8 =	vadd.f32 v8, v2  }
0xd1: {  	s22 =	sadd.s32 $0x4E0, s22  }
0xd2: {  	[tilespmem:s22+$0xFFFFFFF0] =	vst v7  }
0xd3: {  	[tilespmem:s22+$0x0] =	vst v8  }
0xd4: {  	v6 =	vld.idx.msk [tilespmem:v6+s16+$0x0], $0xffff;
	_ =	sdelay $0x2  }
.Ltmp5:
0xd5: {  	(pc) =	sbr.rel @p0 .LBB2_12-.Ltmp5, $3  }
0xd6: {  	_ =	sdelay $0x1  }
0xd7: {  	v7 =	vmul.f32 v6, v3;
	v8 =	vmul.f32 v6, v5  }
0xd8: {  	v6 =	vmov s23;
	s23 =	sadd.s32 $0xD, s23  }
0xd9: {  	v7 =	vadd.f32 v7, v4  }
0xda: {  	v8 =	vadd.f32 v8, v2;
	s22 =	sadd.s32 $0x4E0, s22  }
0xdb: {  	[tilespmem:s22+$0xFFFFFFF0] =	vst v7  }
0xdc: {  	[tilespmem:s22+$0x0] =	vst v8  }
0xdd: {  	v6 =	vld.idx.msk [tilespmem:v6+s16+$0x0], $0xffff;
	_ =	sdelay $0x4  }
0xde: {  	v3 =	vmul.f32 v6, v3  }
0xdf: {  	s23 =	simm.s32 $0x5;
	v5 =	vmul.f32 v6, v5  }
0xe0: {  	v3 =	vadd.f32 v3, v4;
	v4 =	vmov s23  }
0xe1: {  	s22 =	sadd.s32 $0x4E0, s22;
	v2 =	vadd.f32 v5, v2  }
0xe2: {  	[tilespmem:s22+$0xFFFFFFF0] =	vst v3  }
0xe3: {  	[tilespmem:s22+$0x0] =	vst v2  }
0xe4: {  	v3 =	vld [tilespmem:$0x14C20]  }
0xe5: {  	v6 =	vld.idx.msk [tilespmem:v4+s16+$0x0], $0xffff  }
0xe6: {  	v5 =	vld [tilespmem:$0x14C30]  }
0xe7: {  	v4 =	vld [tilespmem:$0x14DC0]  }
0xe8: {  	v2 =	vld [tilespmem:$0x14DD0];
	_ =	sdelay $0x1  }
0xe9: {  	s30 =	simm.s32 $0x12;
	v7 =	vmul.f32 v6, v3  }
0xea: {  	v8 =	vmov s30;
	v6 =	vmul.f32 v6, v5  }
0xeb: {  	v7 =	vadd.f32 v7, v4  }
0xec: {  	s22 =	simm.s32 $0x1430;
	v6 =	vadd.f32 v6, v2  }
0xed: {  	[tilespmem:s22+$0xFFFFFFF0] =	vst v7  }
0xee: {  	[tilespmem:s22+$0x0] =	vst v6  }
0xef: {  	v6 =	vld.idx.msk [tilespmem:v8+s16+$0x0], $0xffff;
	_ =	sdelay $0x4  }
0xf0: {  	s31 =	simm.s32 $0x1F;
	v7 =	vmul.f32 v6, v3;
	v8 =	vmul.f32 v6, v5  }
0xf1: {  	s23 =	simm.s32 $0x2C;
	v6 =	vmov s31  }
.LBB2_14:
0xf2: {  	p0 =	sne.s32 s23, $0x338;
	v7 =	vadd.f32 v7, v4;
	v8 =	vadd.f32 v8, v2  }
0xf3: {  	s22 =	sadd.s32 $0x4E0, s22  }
0xf4: {  	[tilespmem:s22+$0xFFFFFFF0] =	vst v7  }
0xf5: {  	[tilespmem:s22+$0x0] =	vst v8  }
0xf6: {  	v6 =	vld.idx.msk [tilespmem:v6+s16+$0x0], $0xffff;
	_ =	sdelay $0x2  }
.Ltmp6:
0xf7: {  	(pc) =	sbr.rel @p0 .LBB2_14-.Ltmp6, $3  }
0xf8: {  	_ =	sdelay $0x1  }
0xf9: {  	v7 =	vmul.f32 v6, v3;
	v8 =	vmul.f32 v6, v5  }
0xfa: {  	v6 =	vmov s23;
	s23 =	sadd.s32 $0xD, s23  }
0xfb: {  	v7 =	vadd.f32 v7, v4  }
0xfc: {  	v8 =	vadd.f32 v8, v2;
	s22 =	sadd.s32 $0x4E0, s22  }
0xfd: {  	[tilespmem:s22+$0xFFFFFFF0] =	vst v7  }
0xfe: {  	[tilespmem:s22+$0x0] =	vst v8  }
0xff: {  	v6 =	vld.idx.msk [tilespmem:v6+s16+$0x0], $0xffff;
	_ =	sdelay $0x4  }
0x100: {  	v3 =	vmul.f32 v6, v3  }
0x101: {  	s23 =	simm.s32 $0x6;
	v5 =	vmul.f32 v6, v5  }
0x102: {  	v3 =	vadd.f32 v3, v4;
	v4 =	vmov s23  }
0x103: {  	s22 =	sadd.s32 $0x4E0, s22;
	v2 =	vadd.f32 v5, v2  }
0x104: {  	[tilespmem:s22+$0xFFFFFFF0] =	vst v3  }
0x105: {  	[tilespmem:s22+$0x0] =	vst v2  }
0x106: {  	v3 =	vld [tilespmem:$0x14C40]  }
0x107: {  	v6 =	vld.idx.msk [tilespmem:v4+s16+$0x0], $0xffff  }
0x108: {  	v5 =	vld [tilespmem:$0x14C50]  }
0x109: {  	v4 =	vld [tilespmem:$0x14DE0]  }
0x10a: {  	v2 =	vld [tilespmem:$0x14DF0];
	_ =	sdelay $0x1  }
0x10b: {  	s30 =	simm.s32 $0x13;
	v7 =	vmul.f32 v6, v3  }
0x10c: {  	v8 =	vmov s30;
	v6 =	vmul.f32 v6, v5  }
0x10d: {  	v7 =	vadd.f32 v7, v4  }
0x10e: {  	s22 =	simm.s32 $0x1450;
	v6 =	vadd.f32 v6, v2  }
0x10f: {  	[tilespmem:s22+$0xFFFFFFF0] =	vst v7  }
0x110: {  	[tilespmem:s22+$0x0] =	vst v6  }
0x111: {  	v6 =	vld.idx.msk [tilespmem:v8+s16+$0x0], $0xffff;
	_ =	sdelay $0x4  }
0x112: {  	s31 =	simm.s32 $0x20;
	v7 =	vmul.f32 v6, v3;
	v8 =	vmul.f32 v6, v5  }
0x113: {  	s23 =	simm.s32 $0x2D;
	v6 =	vmov s31  }
.LBB2_16:
0x114: {  	p0 =	sne.s32 s23, $0x339;
	v7 =	vadd.f32 v7, v4;
	v8 =	vadd.f32 v8, v2  }
0x115: {  	s22 =	sadd.s32 $0x4E0, s22  }
0x116: {  	[tilespmem:s22+$0xFFFFFFF0] =	vst v7  }
0x117: {  	[tilespmem:s22+$0x0] =	vst v8  }
0x118: {  	v6 =	vld.idx.msk [tilespmem:v6+s16+$0x0], $0xffff;
	_ =	sdelay $0x2  }
.Ltmp7:
0x119: {  	(pc) =	sbr.rel @p0 .LBB2_16-.Ltmp7, $3  }
0x11a: {  	_ =	sdelay $0x1  }
0x11b: {  	v7 =	vmul.f32 v6, v3;
	v8 =	vmul.f32 v6, v5  }
0x11c: {  	v6 =	vmov s23;
	s23 =	sadd.s32 $0xD, s23  }
0x11d: {  	v7 =	vadd.f32 v7, v4  }
0x11e: {  	v8 =	vadd.f32 v8, v2;
	s22 =	sadd.s32 $0x4E0, s22  }
0x11f: {  	[tilespmem:s22+$0xFFFFFFF0] =	vst v7  }
0x120: {  	[tilespmem:s22+$0x0] =	vst v8  }
0x121: {  	v6 =	vld.idx.msk [tilespmem:v6+s16+$0x0], $0xffff;
	_ =	sdelay $0x4  }
0x122: {  	v3 =	vmul.f32 v6, v3  }
0x123: {  	s23 =	simm.s32 $0x7;
	v5 =	vmul.f32 v6, v5  }
0x124: {  	v3 =	vadd.f32 v3, v4;
	v4 =	vmov s23  }
0x125: {  	s22 =	sadd.s32 $0x4E0, s22;
	v2 =	vadd.f32 v5, v2  }
0x126: {  	[tilespmem:s22+$0xFFFFFFF0] =	vst v3  }
0x127: {  	[tilespmem:s22+$0x0] =	vst v2  }
0x128: {  	v3 =	vld [tilespmem:$0x14C60]  }
0x129: {  	v6 =	vld.idx.msk [tilespmem:v4+s16+$0x0], $0xffff  }
0x12a: {  	v5 =	vld [tilespmem:$0x14C70]  }
0x12b: {  	v4 =	vld [tilespmem:$0x14E00]  }
0x12c: {  	v2 =	vld [tilespmem:$0x14E10];
	_ =	sdelay $0x1  }
0x12d: {  	s30 =	simm.s32 $0x14;
	v7 =	vmul.f32 v6, v3  }
0x12e: {  	v8 =	vmov s30;
	v6 =	vmul.f32 v6, v5  }
0x12f: {  	v7 =	vadd.f32 v7, v4  }
0x130: {  	s22 =	simm.s32 $0x1470;
	v6 =	vadd.f32 v6, v2  }
0x131: {  	[tilespmem:s22+$0xFFFFFFF0] =	vst v7  }
0x132: {  	[tilespmem:s22+$0x0] =	vst v6  }
0x133: {  	v6 =	vld.idx.msk [tilespmem:v8+s16+$0x0], $0xffff;
	_ =	sdelay $0x4  }
0x134: {  	s31 =	simm.s32 $0x21;
	v7 =	vmul.f32 v6, v3;
	v8 =	vmul.f32 v6, v5  }
0x135: {  	s23 =	simm.s32 $0x2E;
	v6 =	vmov s31  }
.LBB2_18:
0x136: {  	p0 =	sne.s32 s23, $0x33A;
	v7 =	vadd.f32 v7, v4;
	v8 =	vadd.f32 v8, v2  }
0x137: {  	s22 =	sadd.s32 $0x4E0, s22  }
0x138: {  	[tilespmem:s22+$0xFFFFFFF0] =	vst v7  }
0x139: {  	[tilespmem:s22+$0x0] =	vst v8  }
0x13a: {  	v6 =	vld.idx.msk [tilespmem:v6+s16+$0x0], $0xffff;
	_ =	sdelay $0x2  }
.Ltmp8:
0x13b: {  	(pc) =	sbr.rel @p0 .LBB2_18-.Ltmp8, $3  }
0x13c: {  	_ =	sdelay $0x1  }
0x13d: {  	v7 =	vmul.f32 v6, v3;
	v8 =	vmul.f32 v6, v5  }
0x13e: {  	v6 =	vmov s23;
	s23 =	sadd.s32 $0xD, s23  }
0x13f: {  	v7 =	vadd.f32 v7, v4  }
0x140: {  	v8 =	vadd.f32 v8, v2;
	s22 =	sadd.s32 $0x4E0, s22  }
0x141: {  	[tilespmem:s22+$0xFFFFFFF0] =	vst v7  }
0x142: {  	[tilespmem:s22+$0x0] =	vst v8  }
0x143: {  	v6 =	vld.idx.msk [tilespmem:v6+s16+$0x0], $0xffff;
	_ =	sdelay $0x4  }
0x144: {  	v3 =	vmul.f32 v6, v3  }
0x145: {  	s23 =	simm.s32 $0x8;
	v5 =	vmul.f32 v6, v5  }
0x146: {  	v3 =	vadd.f32 v3, v4;
	v4 =	vmov s23  }
0x147: {  	s22 =	sadd.s32 $0x4E0, s22;
	v2 =	vadd.f32 v5, v2  }
0x148: {  	[tilespmem:s22+$0xFFFFFFF0] =	vst v3  }
0x149: {  	[tilespmem:s22+$0x0] =	vst v2  }
0x14a: {  	v3 =	vld [tilespmem:$0x14C80]  }
0x14b: {  	v6 =	vld.idx.msk [tilespmem:v4+s16+$0x0], $0xffff  }
0x14c: {  	v5 =	vld [tilespmem:$0x14C90]  }
0x14d: {  	v4 =	vld [tilespmem:$0x14E20]  }
0x14e: {  	v2 =	vld [tilespmem:$0x14E30];
	_ =	sdelay $0x1  }
0x14f: {  	s30 =	simm.s32 $0x15;
	v7 =	vmul.f32 v6, v3  }
0x150: {  	v8 =	vmov s30;
	v6 =	vmul.f32 v6, v5  }
0x151: {  	v7 =	vadd.f32 v7, v4  }
0x152: {  	s22 =	simm.s32 $0x1490;
	v6 =	vadd.f32 v6, v2  }
0x153: {  	[tilespmem:s22+$0xFFFFFFF0] =	vst v7  }
0x154: {  	[tilespmem:s22+$0x0] =	vst v6  }
0x155: {  	v6 =	vld.idx.msk [tilespmem:v8+s16+$0x0], $0xffff;
	_ =	sdelay $0x4  }
0x156: {  	s31 =	simm.s32 $0x22;
	v7 =	vmul.f32 v6, v3;
	v8 =	vmul.f32 v6, v5  }
0x157: {  	s23 =	simm.s32 $0x2F;
	v6 =	vmov s31  }
.LBB2_20:
0x158: {  	p0 =	sne.s32 s23, $0x33B;
	v7 =	vadd.f32 v7, v4;
	v8 =	vadd.f32 v8, v2  }
0x159: {  	s22 =	sadd.s32 $0x4E0, s22  }
0x15a: {  	[tilespmem:s22+$0xFFFFFFF0] =	vst v7  }
0x15b: {  	[tilespmem:s22+$0x0] =	vst v8  }
0x15c: {  	v6 =	vld.idx.msk [tilespmem:v6+s16+$0x0], $0xffff;
	_ =	sdelay $0x2  }
.Ltmp9:
0x15d: {  	(pc) =	sbr.rel @p0 .LBB2_20-.Ltmp9, $3  }
0x15e: {  	_ =	sdelay $0x1  }
0x15f: {  	v7 =	vmul.f32 v6, v3;
	v8 =	vmul.f32 v6, v5  }
0x160: {  	v6 =	vmov s23;
	s23 =	sadd.s32 $0xD, s23  }
0x161: {  	v7 =	vadd.f32 v7, v4  }
0x162: {  	v8 =	vadd.f32 v8, v2;
	s22 =	sadd.s32 $0x4E0, s22  }
0x163: {  	[tilespmem:s22+$0xFFFFFFF0] =	vst v7  }
0x164: {  	[tilespmem:s22+$0x0] =	vst v8  }
0x165: {  	v6 =	vld.idx.msk [tilespmem:v6+s16+$0x0], $0xffff;
	_ =	sdelay $0x4  }
0x166: {  	v3 =	vmul.f32 v6, v3  }
0x167: {  	s23 =	simm.s32 $0x9;
	v5 =	vmul.f32 v6, v5  }
0x168: {  	v3 =	vadd.f32 v3, v4;
	v4 =	vmov s23  }
0x169: {  	s22 =	sadd.s32 $0x4E0, s22;
	v2 =	vadd.f32 v5, v2  }
0x16a: {  	[tilespmem:s22+$0xFFFFFFF0] =	vst v3  }
0x16b: {  	[tilespmem:s22+$0x0] =	vst v2  }
0x16c: {  	v3 =	vld [tilespmem:$0x14CA0]  }
0x16d: {  	v6 =	vld.idx.msk [tilespmem:v4+s16+$0x0], $0xffff  }
0x16e: {  	v5 =	vld [tilespmem:$0x14CB0]  }
0x16f: {  	v4 =	vld [tilespmem:$0x14E40]  }
0x170: {  	v2 =	vld [tilespmem:$0x14E50];
	_ =	sdelay $0x1  }
0x171: {  	s30 =	simm.s32 $0x16;
	v7 =	vmul.f32 v6, v3  }
0x172: {  	v8 =	vmov s30;
	v6 =	vmul.f32 v6, v5  }
0x173: {  	v7 =	vadd.f32 v7, v4  }
0x174: {  	s22 =	simm.s32 $0x14B0;
	v6 =	vadd.f32 v6, v2  }
0x175: {  	[tilespmem:s22+$0xFFFFFFF0] =	vst v7  }
0x176: {  	[tilespmem:s22+$0x0] =	vst v6  }
0x177: {  	v6 =	vld.idx.msk [tilespmem:v8+s16+$0x0], $0xffff;
	_ =	sdelay $0x4  }
0x178: {  	s31 =	simm.s32 $0x23;
	v7 =	vmul.f32 v6, v3;
	v8 =	vmul.f32 v6, v5  }
0x179: {  	s23 =	simm.s32 $0x30;
	v6 =	vmov s31  }
.LBB2_22:
0x17a: {  	p0 =	sne.s32 s23, $0x33C;
	v7 =	vadd.f32 v7, v4;
	v8 =	vadd.f32 v8, v2  }
0x17b: {  	s22 =	sadd.s32 $0x4E0, s22  }
0x17c: {  	[tilespmem:s22+$0xFFFFFFF0] =	vst v7  }
0x17d: {  	[tilespmem:s22+$0x0] =	vst v8  }
0x17e: {  	v6 =	vld.idx.msk [tilespmem:v6+s16+$0x0], $0xffff;
	_ =	sdelay $0x2  }
.Ltmp10:
0x17f: {  	(pc) =	sbr.rel @p0 .LBB2_22-.Ltmp10, $3  }
0x180: {  	_ =	sdelay $0x1  }
0x181: {  	v7 =	vmul.f32 v6, v3;
	v8 =	vmul.f32 v6, v5  }
0x182: {  	v6 =	vmov s23;
	s23 =	sadd.s32 $0xD, s23  }
0x183: {  	v7 =	vadd.f32 v7, v4  }
0x184: {  	v8 =	vadd.f32 v8, v2;
	s22 =	sadd.s32 $0x4E0, s22  }
0x185: {  	[tilespmem:s22+$0xFFFFFFF0] =	vst v7  }
0x186: {  	[tilespmem:s22+$0x0] =	vst v8  }
0x187: {  	v6 =	vld.idx.msk [tilespmem:v6+s16+$0x0], $0xffff;
	_ =	sdelay $0x4  }
0x188: {  	v3 =	vmul.f32 v6, v3  }
0x189: {  	s23 =	simm.s32 $0xA;
	v5 =	vmul.f32 v6, v5  }
0x18a: {  	v3 =	vadd.f32 v3, v4;
	v4 =	vmov s23  }
0x18b: {  	s22 =	sadd.s32 $0x4E0, s22;
	v2 =	vadd.f32 v5, v2  }
0x18c: {  	[tilespmem:s22+$0xFFFFFFF0] =	vst v3  }
0x18d: {  	[tilespmem:s22+$0x0] =	vst v2  }
0x18e: {  	v3 =	vld [tilespmem:$0x14CC0]  }
0x18f: {  	v6 =	vld.idx.msk [tilespmem:v4+s16+$0x0], $0xffff  }
0x190: {  	v5 =	vld [tilespmem:$0x14CD0]  }
0x191: {  	v4 =	vld [tilespmem:$0x14E60]  }
0x192: {  	v2 =	vld [tilespmem:$0x14E70];
	_ =	sdelay $0x1  }
0x193: {  	s30 =	simm.s32 $0x17;
	v7 =	vmul.f32 v6, v3  }
0x194: {  	v8 =	vmov s30;
	v6 =	vmul.f32 v6, v5  }
0x195: {  	v7 =	vadd.f32 v7, v4  }
0x196: {  	s22 =	simm.s32 $0x14D0;
	v6 =	vadd.f32 v6, v2  }
0x197: {  	[tilespmem:s22+$0xFFFFFFF0] =	vst v7  }
0x198: {  	[tilespmem:s22+$0x0] =	vst v6  }
0x199: {  	v6 =	vld.idx.msk [tilespmem:v8+s16+$0x0], $0xffff;
	_ =	sdelay $0x4  }
0x19a: {  	s31 =	simm.s32 $0x24;
	v7 =	vmul.f32 v6, v3;
	v8 =	vmul.f32 v6, v5  }
0x19b: {  	s23 =	simm.s32 $0x31;
	v6 =	vmov s31  }
.LBB2_24:
0x19c: {  	p0 =	sne.s32 s23, $0x33D;
	v7 =	vadd.f32 v7, v4;
	v8 =	vadd.f32 v8, v2  }
0x19d: {  	s22 =	sadd.s32 $0x4E0, s22  }
0x19e: {  	[tilespmem:s22+$0xFFFFFFF0] =	vst v7  }
0x19f: {  	[tilespmem:s22+$0x0] =	vst v8  }
0x1a0: {  	v6 =	vld.idx.msk [tilespmem:v6+s16+$0x0], $0xffff;
	_ =	sdelay $0x2  }
.Ltmp11:
0x1a1: {  	(pc) =	sbr.rel @p0 .LBB2_24-.Ltmp11, $3  }
0x1a2: {  	_ =	sdelay $0x1  }
0x1a3: {  	v7 =	vmul.f32 v6, v3;
	v8 =	vmul.f32 v6, v5  }
0x1a4: {  	v6 =	vmov s23;
	s23 =	sadd.s32 $0xD, s23  }
0x1a5: {  	v7 =	vadd.f32 v7, v4  }
0x1a6: {  	v8 =	vadd.f32 v8, v2;
	s22 =	sadd.s32 $0x4E0, s22  }
0x1a7: {  	[tilespmem:s22+$0xFFFFFFF0] =	vst v7  }
0x1a8: {  	[tilespmem:s22+$0x0] =	vst v8  }
0x1a9: {  	v6 =	vld.idx.msk [tilespmem:v6+s16+$0x0], $0xffff;
	_ =	sdelay $0x4  }
0x1aa: {  	v3 =	vmul.f32 v6, v3  }
0x1ab: {  	s23 =	simm.s32 $0xB;
	v5 =	vmul.f32 v6, v5  }
0x1ac: {  	v3 =	vadd.f32 v3, v4;
	v4 =	vmov s23  }
0x1ad: {  	s22 =	sadd.s32 $0x4E0, s22;
	v2 =	vadd.f32 v5, v2  }
0x1ae: {  	[tilespmem:s22+$0xFFFFFFF0] =	vst v3  }
0x1af: {  	[tilespmem:s22+$0x0] =	vst v2  }
0x1b0: {  	v3 =	vld [tilespmem:$0x14CE0]  }
0x1b1: {  	v6 =	vld.idx.msk [tilespmem:v4+s16+$0x0], $0xffff  }
0x1b2: {  	v5 =	vld [tilespmem:$0x14CF0]  }
0x1b3: {  	v4 =	vld [tilespmem:$0x14E80]  }
0x1b4: {  	v2 =	vld [tilespmem:$0x14E90];
	_ =	sdelay $0x1  }
0x1b5: {  	s30 =	simm.s32 $0x18;
	v7 =	vmul.f32 v6, v3  }
0x1b6: {  	v8 =	vmov s30;
	v6 =	vmul.f32 v6, v5  }
0x1b7: {  	v7 =	vadd.f32 v7, v4  }
0x1b8: {  	s22 =	simm.s32 $0x14F0;
	v6 =	vadd.f32 v6, v2  }
0x1b9: {  	[tilespmem:s22+$0xFFFFFFF0] =	vst v7  }
0x1ba: {  	[tilespmem:s22+$0x0] =	vst v6  }
0x1bb: {  	v6 =	vld.idx.msk [tilespmem:v8+s16+$0x0], $0xffff;
	_ =	sdelay $0x4  }
0x1bc: {  	s31 =	simm.s32 $0x25;
	v7 =	vmul.f32 v6, v3;
	v8 =	vmul.f32 v6, v5  }
0x1bd: {  	s23 =	simm.s32 $0x32;
	v6 =	vmov s31  }
.LBB2_26:
0x1be: {  	p0 =	sne.s32 s23, $0x33E;
	v7 =	vadd.f32 v7, v4;
	v8 =	vadd.f32 v8, v2  }
0x1bf: {  	s22 =	sadd.s32 $0x4E0, s22  }
0x1c0: {  	[tilespmem:s22+$0xFFFFFFF0] =	vst v7  }
0x1c1: {  	[tilespmem:s22+$0x0] =	vst v8  }
0x1c2: {  	v6 =	vld.idx.msk [tilespmem:v6+s16+$0x0], $0xffff;
	_ =	sdelay $0x2  }
.Ltmp12:
0x1c3: {  	(pc) =	sbr.rel @p0 .LBB2_26-.Ltmp12, $3  }
0x1c4: {  	_ =	sdelay $0x1  }
0x1c5: {  	v7 =	vmul.f32 v6, v3;
	v8 =	vmul.f32 v6, v5  }
0x1c6: {  	v6 =	vmov s23;
	s23 =	sadd.s32 $0xD, s23  }
0x1c7: {  	v7 =	vadd.f32 v7, v4  }
0x1c8: {  	v8 =	vadd.f32 v8, v2;
	s22 =	sadd.s32 $0x4E0, s22  }
0x1c9: {  	[tilespmem:s22+$0xFFFFFFF0] =	vst v7  }
0x1ca: {  	[tilespmem:s22+$0x0] =	vst v8  }
0x1cb: {  	v6 =	vld.idx.msk [tilespmem:v6+s16+$0x0], $0xffff;
	_ =	sdelay $0x4  }
0x1cc: {  	v3 =	vmul.f32 v6, v3  }
0x1cd: {  	s23 =	simm.s32 $0xC;
	v5 =	vmul.f32 v6, v5  }
0x1ce: {  	v3 =	vadd.f32 v3, v4;
	v4 =	vmov s23  }
0x1cf: {  	s22 =	sadd.s32 $0x4E0, s22;
	v2 =	vadd.f32 v5, v2  }
0x1d0: {  	[tilespmem:s22+$0xFFFFFFF0] =	vst v3  }
0x1d1: {  	[tilespmem:s22+$0x0] =	vst v2  }
0x1d2: {  	v2 =	vld [tilespmem:$0x14D00]  }
0x1d3: {  	v6 =	vld.idx.msk [tilespmem:v4+s16+$0x0], $0xffff  }
0x1d4: {  	v3 =	vld [tilespmem:$0x14D10]  }
0x1d5: {  	v4 =	vld [tilespmem:$0x14EA0]  }
0x1d6: {  	v5 =	vld [tilespmem:$0x14EB0];
	_ =	sdelay $0x1  }
0x1d7: {  	s30 =	simm.s32 $0x19;
	v7 =	vmul.f32 v6, v2  }
0x1d8: {  	v8 =	vmov s30;
	v6 =	vmul.f32 v6, v3  }
0x1d9: {  	v7 =	vadd.f32 v7, v4  }
0x1da: {  	s22 =	simm.s32 $0x1510;
	v6 =	vadd.f32 v6, v5  }
0x1db: {  	[tilespmem:s22+$0xFFFFFFF0] =	vst v7  }
0x1dc: {  	[tilespmem:s22+$0x0] =	vst v6  }
0x1dd: {  	v6 =	vld.idx.msk [tilespmem:v8+s16+$0x0], $0xffff;
	_ =	sdelay $0x4  }
0x1de: {  	s31 =	simm.s32 $0x26;
	v7 =	vmul.f32 v6, v2;
	v8 =	vmul.f32 v6, v3  }
0x1df: {  	s23 =	simm.s32 $0x33;
	v6 =	vmov s31  }
.LBB2_28:
0x1e0: {  	p0 =	sne.s32 s23, $0x33F;
	v7 =	vadd.f32 v7, v4;
	v8 =	vadd.f32 v8, v5  }
0x1e1: {  	s22 =	sadd.s32 $0x4E0, s22  }
0x1e2: {  	[tilespmem:s22+$0xFFFFFFF0] =	vst v7  }
0x1e3: {  	[tilespmem:s22+$0x0] =	vst v8  }
0x1e4: {  	v6 =	vld.idx.msk [tilespmem:v6+s16+$0x0], $0xffff;
	_ =	sdelay $0x2  }
.Ltmp13:
0x1e5: {  	(pc) =	sbr.rel @p0 .LBB2_28-.Ltmp13, $3  }
0x1e6: {  	_ =	sdelay $0x1  }
0x1e7: {  	v7 =	vmul.f32 v6, v2;
	v8 =	vmul.f32 v6, v3  }
0x1e8: {  	v6 =	vmov s23;
	s23 =	sadd.s32 $0xD, s23  }
0x1e9: {  	v7 =	vadd.f32 v7, v4  }
0x1ea: {  	v8 =	vadd.f32 v8, v5;
	s22 =	sadd.s32 $0x4E0, s22  }
0x1eb: {  	[tilespmem:s22+$0xFFFFFFF0] =	vst v7  }
0x1ec: {  	[tilespmem:s22+$0x0] =	vst v8  }
0x1ed: {  	v6 =	vld.idx.msk [tilespmem:v6+s16+$0x0], $0xffff;
	_ =	sdelay $0x4  }
0x1ee: {  	v2 =	vmul.f32 v6, v2  }
0x1ef: {  	v3 =	vmul.f32 v6, v3  }
0x1f0: {  	v2 =	vadd.f32 v2, v4  }
0x1f1: {  	s22 =	sadd.s32 $0x4E0, s22;
	v3 =	vadd.f32 v3, v5  }
0x1f2: {  	[tilespmem:s22+$0xFFFFFFF0] =	vst v2  }
0x1f3: {  	[tilespmem:s22+$0x0] =	vst v3  }
0x1f4: {  	_ =	swait.ge [sflag:s20], $0x13800  }
0x1f5: {  	[sflag:s20] =	ssyncset.done $0x0  }
0x1f6: {  	s31 =	simm.s32 $0x0;
	[sflag:s20] =	ssyncadd.s32 $0xFFFEC800  }
0x1f7: {  	[hbm4b:s8+s31] =	stream.linear.scatter [tilespmem:s19], [sflag:$0x2], $0x13800, $0x38;
	[tilespmem:$0x14EC0] =	vst v63  }
0x1f8: {  	_ =	swait.ge [sflag:s14], $0x13800  }
0x1f9: {  	[sflag:s14] =	ssyncset.done $0x0  }
0x1fa: {  	v2 =	vlaneseq.u32;
	[sflag:s14] =	ssyncadd.s32 $0xFFFEC800  }
0x1fb: {  	v3 =	vimm.s32 $0x0;
	vm0 =	vlt.s32 v2, $0x1A;
	[tilespmem:s31], [sflag:$0x2] =	stream.linear.gather [hbm4b:s9+s31], $0x680, $0x38;
	[tilespmem:$0x14EC0] =	vst v63  }
0x1fc: {  	v5 =	vmul.u32 $0x1A, v3;
	v4 =	vsel vm0, $0x0, v0;
	_ =	swait.ge [sflag:s14], $0x680  }
0x1fd: {  	v4 =	vadd.s32 v2, v4;
	[sflag:s14] =	ssyncset.done $0x0  }
0x1fe: {  	v5 =	vadd.s32 v5, v4;
	[sflag:s14] =	ssyncadd.s32 $0xFFFFF980  }
0x1ff: {  	[tilespmem:s16], [sflag:$0x2] =	stream.linear.gather [hbm4b:s10+s31], $0x340, $0x38;
	[tilespmem:$0x14EC0] =	vst v63  }
0x200: {  	v6 =	vadd.s32 $0x10, v2;
	_ =	swait.ge [sflag:s14], $0x340  }
0x201: {  	vm1 =	vgt.s32 v6, $0x26;
	v2 =	vadd.s32 $0xFFFFFFE9, v2;
	[sflag:s14] =	ssyncset.done $0x0  }
0x202: {  	v6 =	vsel vm1, v2, v6;
	v2 =	vsel vm1, $0x1, v1;
	[sflag:s14] =	ssyncadd.s32 $0xFFFFFCC0  }
0x203: {  	vm1 =	vlt.s32 v6, $0x1A;
	v2 =	vadd.s32 v2, v3;
	v7 =	vld.idx.msk [tilespmem:v5+s2+$0x0], $0xffff  }
0x204: {  	v3 =	vsel vm1, $0x0, v0;
	v5 =	vmul.u32 $0x1A, v2  }
0x205: {  	v3 =	vadd.s32 v6, v3  }
0x206: {  	v8 =	vmul.u32 $0x186A0, v4;
	v5 =	vadd.s32 v5, v3;
	_ =	sdelay $0x1  }
0x207: {  	vm0 =	vmmov vm0;
	v4 =	vadd.s32 $0xFFFFFFE9, v6;
	v7 =	vadd.s32 v8, v7  }
0x208: {  	s23 =	simm.s32 $0x80;
	s24 =	simm.s32 $0x0;
	s22 =	simm.s32 $0x40;
	v6 =	vadd.s32 $0x10, v6;
	v7 =	vnsel vm0, $0xFFFFFFFF, v7;
	vm0 =	vmmov vm1  }
.LBB2_30:
0x209: {  	p0 =	sne.s32 s23, $0x26C0;
	vm1 =	vgt.s32 v6, $0x26;
	[tilespmem:s24+$0x680] =	vst v7;
	s25 =	smov.u32 s23;
	s23 =	sadd.s32 $0x40, s23  }
0x20a: {  	v7 =	vld.idx.msk [tilespmem:v5+s2+$0x0], $0xffff;
	v6 =	vsel vm1, v4, v6;
	v5 =	vsel vm1, $0x1, v1  }
0x20b: {  	vm1 =	vlt.s32 v6, $0x1A;
	v4 =	vadd.s32 $0xFFFFFFE9, v6;
	v2 =	vadd.s32 v5, v2  }
0x20c: {  	v5 =	vsel vm1, $0x0, v0;
	v8 =	vmul.u32 $0x1A, v2  }
.Ltmp14:
0x20d: {  	v9 =	vadd.s32 v6, v5;
	(pc) =	sbr.rel @p0 .LBB2_30-.Ltmp14, $3  }
0x20e: {  	v5 =	vadd.s32 v8, v9;
	v8 =	vmul.u32 $0x186A0, v3;
	v3 =	vmov v9;
	_ =	sdelay $0x1  }
0x20f: {  	v7 =	vadd.s32 v8, v7  }
0x210: {  	s24 =	sshra.s32 s22, $0x2;
	s22 =	smov.u32 s25;
	v6 =	vadd.s32 $0x10, v6;
	v7 =	vnsel vm0, $0xFFFFFFFF, v7;
	vm0 =	vmmov vm1  }
0x211: {  	_ =	sdelay $0x2  }
0x212: {  	[tilespmem:s24+$0x680] =	vst v7  }
0x213: {  	v2 =	vld.idx.msk [tilespmem:v5+s2+$0x0], $0xffff;
	_ =	sdelay $0x2  }
0x214: {  	v3 =	vmul.u32 $0x186A0, v3;
	_ =	sdelay $0x1  }
0x215: {  	v2 =	vadd.s32 v3, v2  }
0x216: {  	s22 =	sshra.s32 s22, $0x2;
	s23 =	simm.s32 $0x0;
	v2 =	vnsel vm0, $0xFFFFFFFF, v2  }
0x217: {  	[tilespmem:s22+$0x680] =	vst v2;
	v2 =	vmov s23  }
0x218: {  	(ifvalue) =	ssetifvalue $0xFFFFFFFF  }
0x219: {  	(ifvalue) =	ssetifvalue $0xFFFFFFFF  }
0x21a: {  	[tilespmem:s19], [sflag:$0x1] =	stream.indirect.gather [hbm4b:s3+s17], $0x20, s18, s17, $0x40b8;
	[tilespmem:$0x14EC0] =	vst v63  }
0x21b: {  	v3 =	vld [tilespmem:$0x14B80]  }
0x21c: {  	v6 =	vld.idx.msk [tilespmem:v2+s16+$0x0], $0xffff  }
0x21d: {  	v5 =	vld [tilespmem:$0x14B90]  }
0x21e: {  	v4 =	vld [tilespmem:$0x14D20]  }
0x21f: {  	v2 =	vld [tilespmem:$0x14D30];
	_ =	sdelay $0x1  }
0x220: {  	s30 =	simm.s32 $0xD;
	v7 =	vmul.f32 v6, v3  }
0x221: {  	v8 =	vmov s30;
	v6 =	vmul.f32 v6, v5  }
0x222: {  	v7 =	vadd.f32 v7, v4  }
0x223: {  	s22 =	simm.s32 $0x1390;
	v6 =	vadd.f32 v6, v2  }
0x224: {  	[tilespmem:s22+$0xFFFFFFF0] =	vst v7  }
0x225: {  	[tilespmem:s22+$0x0] =	vst v6  }
0x226: {  	v6 =	vld.idx.msk [tilespmem:v8+s16+$0x0], $0xffff;
	_ =	sdelay $0x4  }
0x227: {  	s31 =	simm.s32 $0x1A;
	v7 =	vmul.f32 v6, v3;
	v8 =	vmul.f32 v6, v5  }
0x228: {  	s23 =	simm.s32 $0x27;
	v6 =	vmov s31  }
.LBB2_32:
0x229: {  	p0 =	sne.s32 s23, $0x333;
	v7 =	vadd.f32 v7, v4;
	v8 =	vadd.f32 v8, v2  }
0x22a: {  	s22 =	sadd.s32 $0x4E0, s22  }
0x22b: {  	[tilespmem:s22+$0xFFFFFFF0] =	vst v7  }
0x22c: {  	[tilespmem:s22+$0x0] =	vst v8  }
0x22d: {  	v6 =	vld.idx.msk [tilespmem:v6+s16+$0x0], $0xffff;
	_ =	sdelay $0x2  }
.Ltmp15:
0x22e: {  	(pc) =	sbr.rel @p0 .LBB2_32-.Ltmp15, $3  }
0x22f: {  	_ =	sdelay $0x1  }
0x230: {  	v7 =	vmul.f32 v6, v3;
	v8 =	vmul.f32 v6, v5  }
0x231: {  	v6 =	vmov s23;
	s23 =	sadd.s32 $0xD, s23  }
0x232: {  	v7 =	vadd.f32 v7, v4  }
0x233: {  	v8 =	vadd.f32 v8, v2;
	s22 =	sadd.s32 $0x4E0, s22  }
0x234: {  	[tilespmem:s22+$0xFFFFFFF0] =	vst v7  }
0x235: {  	[tilespmem:s22+$0x0] =	vst v8  }
0x236: {  	v6 =	vld.idx.msk [tilespmem:v6+s16+$0x0], $0xffff;
	_ =	sdelay $0x4  }
0x237: {  	v3 =	vmul.f32 v6, v3  }
0x238: {  	s23 =	simm.s32 $0x1;
	v5 =	vmul.f32 v6, v5  }
0x239: {  	v3 =	vadd.f32 v3, v4;
	v4 =	vmov s23  }
0x23a: {  	s22 =	sadd.s32 $0x4E0, s22;
	v2 =	vadd.f32 v5, v2  }
0x23b: {  	[tilespmem:s22+$0xFFFFFFF0] =	vst v3  }
0x23c: {  	[tilespmem:s22+$0x0] =	vst v2  }
0x23d: {  	v3 =	vld [tilespmem:$0x14BA0]  }
0x23e: {  	v6 =	vld.idx.msk [tilespmem:v4+s16+$0x0], $0xffff  }
0x23f: {  	v5 =	vld [tilespmem:$0x14BB0]  }
0x240: {  	v4 =	vld [tilespmem:$0x14D40]  }
0x241: {  	v2 =	vld [tilespmem:$0x14D50];
	_ =	sdelay $0x1  }
0x242: {  	s30 =	simm.s32 $0xE;
	v7 =	vmul.f32 v6, v3  }
0x243: {  	v8 =	vmov s30;
	v6 =	vmul.f32 v6, v5  }
0x244: {  	v7 =	vadd.f32 v7, v4  }
0x245: {  	s22 =	simm.s32 $0x13B0;
	v6 =	vadd.f32 v6, v2  }
0x246: {  	[tilespmem:s22+$0xFFFFFFF0] =	vst v7  }
0x247: {  	[tilespmem:s22+$0x0] =	vst v6  }
0x248: {  	v6 =	vld.idx.msk [tilespmem:v8+s16+$0x0], $0xffff;
	_ =	sdelay $0x4  }
0x249: {  	s31 =	simm.s32 $0x1B;
	v7 =	vmul.f32 v6, v3;
	v8 =	vmul.f32 v6, v5  }
0x24a: {  	s23 =	simm.s32 $0x28;
	v6 =	vmov s31  }
.LBB2_34:
0x24b: {  	p0 =	sne.s32 s23, $0x334;
	v7 =	vadd.f32 v7, v4;
	v8 =	vadd.f32 v8, v2  }
0x24c: {  	s22 =	sadd.s32 $0x4E0, s22  }
0x24d: {  	[tilespmem:s22+$0xFFFFFFF0] =	vst v7  }
0x24e: {  	[tilespmem:s22+$0x0] =	vst v8  }
0x24f: {  	v6 =	vld.idx.msk [tilespmem:v6+s16+$0x0], $0xffff;
	_ =	sdelay $0x2  }
.Ltmp16:
0x250: {  	(pc) =	sbr.rel @p0 .LBB2_34-.Ltmp16, $3  }
0x251: {  	_ =	sdelay $0x1  }
0x252: {  	v7 =	vmul.f32 v6, v3;
	v8 =	vmul.f32 v6, v5  }
0x253: {  	v6 =	vmov s23;
	s23 =	sadd.s32 $0xD, s23  }
0x254: {  	v7 =	vadd.f32 v7, v4  }
0x255: {  	v8 =	vadd.f32 v8, v2;
	s22 =	sadd.s32 $0x4E0, s22  }
0x256: {  	[tilespmem:s22+$0xFFFFFFF0] =	vst v7  }
0x257: {  	[tilespmem:s22+$0x0] =	vst v8  }
0x258: {  	v6 =	vld.idx.msk [tilespmem:v6+s16+$0x0], $0xffff;
	_ =	sdelay $0x4  }
0x259: {  	v3 =	vmul.f32 v6, v3  }
0x25a: {  	s23 =	simm.s32 $0x2;
	v5 =	vmul.f32 v6, v5  }
0x25b: {  	v3 =	vadd.f32 v3, v4;
	v4 =	vmov s23  }
0x25c: {  	s22 =	sadd.s32 $0x4E0, s22;
	v2 =	vadd.f32 v5, v2  }
0x25d: {  	[tilespmem:s22+$0xFFFFFFF0] =	vst v3  }
0x25e: {  	[tilespmem:s22+$0x0] =	vst v2  }
0x25f: {  	v3 =	vld [tilespmem:$0x14BC0]  }
0x260: {  	v6 =	vld.idx.msk [tilespmem:v4+s16+$0x0], $0xffff  }
0x261: {  	v5 =	vld [tilespmem:$0x14BD0]  }
0x262: {  	v4 =	vld [tilespmem:$0x14D60]  }
0x263: {  	v2 =	vld [tilespmem:$0x14D70];
	_ =	sdelay $0x1  }
0x264: {  	s30 =	simm.s32 $0xF;
	v7 =	vmul.f32 v6, v3  }
0x265: {  	v8 =	vmov s30;
	v6 =	vmul.f32 v6, v5  }
0x266: {  	v7 =	vadd.f32 v7, v4  }
0x267: {  	s22 =	simm.s32 $0x13D0;
	v6 =	vadd.f32 v6, v2  }
0x268: {  	[tilespmem:s22+$0xFFFFFFF0] =	vst v7  }
0x269: {  	[tilespmem:s22+$0x0] =	vst v6  }
0x26a: {  	v6 =	vld.idx.msk [tilespmem:v8+s16+$0x0], $0xffff;
	_ =	sdelay $0x4  }
0x26b: {  	s31 =	simm.s32 $0x1C;
	v7 =	vmul.f32 v6, v3;
	v8 =	vmul.f32 v6, v5  }
0x26c: {  	s23 =	simm.s32 $0x29;
	v6 =	vmov s31  }
.LBB2_36:
0x26d: {  	p0 =	sne.s32 s23, $0x335;
	v7 =	vadd.f32 v7, v4;
	v8 =	vadd.f32 v8, v2  }
0x26e: {  	s22 =	sadd.s32 $0x4E0, s22  }
0x26f: {  	[tilespmem:s22+$0xFFFFFFF0] =	vst v7  }
0x270: {  	[tilespmem:s22+$0x0] =	vst v8  }
0x271: {  	v6 =	vld.idx.msk [tilespmem:v6+s16+$0x0], $0xffff;
	_ =	sdelay $0x2  }
.Ltmp17:
0x272: {  	(pc) =	sbr.rel @p0 .LBB2_36-.Ltmp17, $3  }
0x273: {  	_ =	sdelay $0x1  }
0x274: {  	v7 =	vmul.f32 v6, v3;
	v8 =	vmul.f32 v6, v5  }
0x275: {  	v6 =	vmov s23;
	s23 =	sadd.s32 $0xD, s23  }
0x276: {  	v7 =	vadd.f32 v7, v4  }
0x277: {  	v8 =	vadd.f32 v8, v2;
	s22 =	sadd.s32 $0x4E0, s22  }
0x278: {  	[tilespmem:s22+$0xFFFFFFF0] =	vst v7  }
0x279: {  	[tilespmem:s22+$0x0] =	vst v8  }
0x27a: {  	v6 =	vld.idx.msk [tilespmem:v6+s16+$0x0], $0xffff;
	_ =	sdelay $0x4  }
0x27b: {  	v3 =	vmul.f32 v6, v3  }
0x27c: {  	s23 =	simm.s32 $0x3;
	v5 =	vmul.f32 v6, v5  }
0x27d: {  	v3 =	vadd.f32 v3, v4;
	v4 =	vmov s23  }
0x27e: {  	s22 =	sadd.s32 $0x4E0, s22;
	v2 =	vadd.f32 v5, v2  }
0x27f: {  	[tilespmem:s22+$0xFFFFFFF0] =	vst v3  }
0x280: {  	[tilespmem:s22+$0x0] =	vst v2  }
0x281: {  	v3 =	vld [tilespmem:$0x14BE0]  }
0x282: {  	v6 =	vld.idx.msk [tilespmem:v4+s16+$0x0], $0xffff  }
0x283: {  	v5 =	vld [tilespmem:$0x14BF0]  }
0x284: {  	v4 =	vld [tilespmem:$0x14D80]  }
0x285: {  	v2 =	vld [tilespmem:$0x14D90];
	_ =	sdelay $0x1  }
0x286: {  	s30 =	simm.s32 $0x10;
	v7 =	vmul.f32 v6, v3  }
0x287: {  	v8 =	vmov s30;
	v6 =	vmul.f32 v6, v5  }
0x288: {  	v7 =	vadd.f32 v7, v4  }
0x289: {  	s22 =	simm.s32 $0x13F0;
	v6 =	vadd.f32 v6, v2  }
0x28a: {  	[tilespmem:s22+$0xFFFFFFF0] =	vst v7  }
0x28b: {  	[tilespmem:s22+$0x0] =	vst v6  }
0x28c: {  	v6 =	vld.idx.msk [tilespmem:v8+s16+$0x0], $0xffff;
	_ =	sdelay $0x4  }
0x28d: {  	s31 =	simm.s32 $0x1D;
	v7 =	vmul.f32 v6, v3;
	v8 =	vmul.f32 v6, v5  }
0x28e: {  	s23 =	simm.s32 $0x2A;
	v6 =	vmov s31  }
.LBB2_38:
0x28f: {  	p0 =	sne.s32 s23, $0x336;
	v7 =	vadd.f32 v7, v4;
	v8 =	vadd.f32 v8, v2  }
0x290: {  	s22 =	sadd.s32 $0x4E0, s22  }
0x291: {  	[tilespmem:s22+$0xFFFFFFF0] =	vst v7  }
0x292: {  	[tilespmem:s22+$0x0] =	vst v8  }
0x293: {  	v6 =	vld.idx.msk [tilespmem:v6+s16+$0x0], $0xffff;
	_ =	sdelay $0x2  }
.Ltmp18:
0x294: {  	(pc) =	sbr.rel @p0 .LBB2_38-.Ltmp18, $3  }
0x295: {  	_ =	sdelay $0x1  }
0x296: {  	v7 =	vmul.f32 v6, v3;
	v8 =	vmul.f32 v6, v5  }
0x297: {  	v6 =	vmov s23;
	s23 =	sadd.s32 $0xD, s23  }
0x298: {  	v7 =	vadd.f32 v7, v4  }
0x299: {  	v8 =	vadd.f32 v8, v2;
	s22 =	sadd.s32 $0x4E0, s22  }
0x29a: {  	[tilespmem:s22+$0xFFFFFFF0] =	vst v7  }
0x29b: {  	[tilespmem:s22+$0x0] =	vst v8  }
0x29c: {  	v6 =	vld.idx.msk [tilespmem:v6+s16+$0x0], $0xffff;
	_ =	sdelay $0x4  }
0x29d: {  	v3 =	vmul.f32 v6, v3  }
0x29e: {  	s23 =	simm.s32 $0x4;
	v5 =	vmul.f32 v6, v5  }
0x29f: {  	v3 =	vadd.f32 v3, v4;
	v4 =	vmov s23  }
0x2a0: {  	s22 =	sadd.s32 $0x4E0, s22;
	v2 =	vadd.f32 v5, v2  }
0x2a1: {  	[tilespmem:s22+$0xFFFFFFF0] =	vst v3  }
0x2a2: {  	[tilespmem:s22+$0x0] =	vst v2  }
0x2a3: {  	v3 =	vld [tilespmem:$0x14C00]  }
0x2a4: {  	v6 =	vld.idx.msk [tilespmem:v4+s16+$0x0], $0xffff  }
0x2a5: {  	v5 =	vld [tilespmem:$0x14C10]  }
0x2a6: {  	v4 =	vld [tilespmem:$0x14DA0]  }
0x2a7: {  	v2 =	vld [tilespmem:$0x14DB0];
	_ =	sdelay $0x1  }
0x2a8: {  	s30 =	simm.s32 $0x11;
	v7 =	vmul.f32 v6, v3  }
0x2a9: {  	v8 =	vmov s30;
	v6 =	vmul.f32 v6, v5  }
0x2aa: {  	v7 =	vadd.f32 v7, v4  }
0x2ab: {  	s22 =	simm.s32 $0x1410;
	v6 =	vadd.f32 v6, v2  }
0x2ac: {  	[tilespmem:s22+$0xFFFFFFF0] =	vst v7  }
0x2ad: {  	[tilespmem:s22+$0x0] =	vst v6  }
0x2ae: {  	v6 =	vld.idx.msk [tilespmem:v8+s16+$0x0], $0xffff;
	_ =	sdelay $0x4  }
0x2af: {  	s31 =	simm.s32 $0x1E;
	v7 =	vmul.f32 v6, v3;
	v8 =	vmul.f32 v6, v5  }
0x2b0: {  	s23 =	simm.s32 $0x2B;
	v6 =	vmov s31  }
.LBB2_40:
0x2b1: {  	p0 =	sne.s32 s23, $0x337;
	v7 =	vadd.f32 v7, v4;
	v8 =	vadd.f32 v8, v2  }
0x2b2: {  	s22 =	sadd.s32 $0x4E0, s22  }
0x2b3: {  	[tilespmem:s22+$0xFFFFFFF0] =	vst v7  }
0x2b4: {  	[tilespmem:s22+$0x0] =	vst v8  }
0x2b5: {  	v6 =	vld.idx.msk [tilespmem:v6+s16+$0x0], $0xffff;
	_ =	sdelay $0x2  }
.Ltmp19:
0x2b6: {  	(pc) =	sbr.rel @p0 .LBB2_40-.Ltmp19, $3  }
0x2b7: {  	_ =	sdelay $0x1  }
0x2b8: {  	v7 =	vmul.f32 v6, v3;
	v8 =	vmul.f32 v6, v5  }
0x2b9: {  	v6 =	vmov s23;
	s23 =	sadd.s32 $0xD, s23  }
0x2ba: {  	v7 =	vadd.f32 v7, v4  }
0x2bb: {  	v8 =	vadd.f32 v8, v2;
	s22 =	sadd.s32 $0x4E0, s22  }
0x2bc: {  	[tilespmem:s22+$0xFFFFFFF0] =	vst v7  }
0x2bd: {  	[tilespmem:s22+$0x0] =	vst v8  }
0x2be: {  	v6 =	vld.idx.msk [tilespmem:v6+s16+$0x0], $0xffff;
	_ =	sdelay $0x4  }
0x2bf: {  	v3 =	vmul.f32 v6, v3  }
0x2c0: {  	s23 =	simm.s32 $0x5;
	v5 =	vmul.f32 v6, v5  }
0x2c1: {  	v3 =	vadd.f32 v3, v4;
	v4 =	vmov s23  }
0x2c2: {  	s22 =	sadd.s32 $0x4E0, s22;
	v2 =	vadd.f32 v5, v2  }
0x2c3: {  	[tilespmem:s22+$0xFFFFFFF0] =	vst v3  }
0x2c4: {  	[tilespmem:s22+$0x0] =	vst v2  }
0x2c5: {  	v3 =	vld [tilespmem:$0x14C20]  }
0x2c6: {  	v6 =	vld.idx.msk [tilespmem:v4+s16+$0x0], $0xffff  }
0x2c7: {  	v5 =	vld [tilespmem:$0x14C30]  }
0x2c8: {  	v4 =	vld [tilespmem:$0x14DC0]  }
0x2c9: {  	v2 =	vld [tilespmem:$0x14DD0];
	_ =	sdelay $0x1  }
0x2ca: {  	s30 =	simm.s32 $0x12;
	v7 =	vmul.f32 v6, v3  }
0x2cb: {  	v8 =	vmov s30;
	v6 =	vmul.f32 v6, v5  }
0x2cc: {  	v7 =	vadd.f32 v7, v4  }
0x2cd: {  	s22 =	simm.s32 $0x1430;
	v6 =	vadd.f32 v6, v2  }
0x2ce: {  	[tilespmem:s22+$0xFFFFFFF0] =	vst v7  }
0x2cf: {  	[tilespmem:s22+$0x0] =	vst v6  }
0x2d0: {  	v6 =	vld.idx.msk [tilespmem:v8+s16+$0x0], $0xffff;
	_ =	sdelay $0x4  }
0x2d1: {  	s31 =	simm.s32 $0x1F;
	v7 =	vmul.f32 v6, v3;
	v8 =	vmul.f32 v6, v5  }
0x2d2: {  	s23 =	simm.s32 $0x2C;
	v6 =	vmov s31  }
.LBB2_42:
0x2d3: {  	p0 =	sne.s32 s23, $0x338;
	v7 =	vadd.f32 v7, v4;
	v8 =	vadd.f32 v8, v2  }
0x2d4: {  	s22 =	sadd.s32 $0x4E0, s22  }
0x2d5: {  	[tilespmem:s22+$0xFFFFFFF0] =	vst v7  }
0x2d6: {  	[tilespmem:s22+$0x0] =	vst v8  }
0x2d7: {  	v6 =	vld.idx.msk [tilespmem:v6+s16+$0x0], $0xffff;
	_ =	sdelay $0x2  }
.Ltmp20:
0x2d8: {  	(pc) =	sbr.rel @p0 .LBB2_42-.Ltmp20, $3  }
0x2d9: {  	_ =	sdelay $0x1  }
0x2da: {  	v7 =	vmul.f32 v6, v3;
	v8 =	vmul.f32 v6, v5  }
0x2db: {  	v6 =	vmov s23;
	s23 =	sadd.s32 $0xD, s23  }
0x2dc: {  	v7 =	vadd.f32 v7, v4  }
0x2dd: {  	v8 =	vadd.f32 v8, v2;
	s22 =	sadd.s32 $0x4E0, s22  }
0x2de: {  	[tilespmem:s22+$0xFFFFFFF0] =	vst v7  }
0x2df: {  	[tilespmem:s22+$0x0] =	vst v8  }
0x2e0: {  	v6 =	vld.idx.msk [tilespmem:v6+s16+$0x0], $0xffff;
	_ =	sdelay $0x4  }
0x2e1: {  	v3 =	vmul.f32 v6, v3  }
0x2e2: {  	s23 =	simm.s32 $0x6;
	v5 =	vmul.f32 v6, v5  }
0x2e3: {  	v3 =	vadd.f32 v3, v4;
	v4 =	vmov s23  }
0x2e4: {  	s22 =	sadd.s32 $0x4E0, s22;
	v2 =	vadd.f32 v5, v2  }
0x2e5: {  	[tilespmem:s22+$0xFFFFFFF0] =	vst v3  }
0x2e6: {  	[tilespmem:s22+$0x0] =	vst v2  }
0x2e7: {  	v3 =	vld [tilespmem:$0x14C40]  }
0x2e8: {  	v6 =	vld.idx.msk [tilespmem:v4+s16+$0x0], $0xffff  }
0x2e9: {  	v5 =	vld [tilespmem:$0x14C50]  }
0x2ea: {  	v4 =	vld [tilespmem:$0x14DE0]  }
0x2eb: {  	v2 =	vld [tilespmem:$0x14DF0];
	_ =	sdelay $0x1  }
0x2ec: {  	s30 =	simm.s32 $0x13;
	v7 =	vmul.f32 v6, v3  }
0x2ed: {  	v8 =	vmov s30;
	v6 =	vmul.f32 v6, v5  }
0x2ee: {  	v7 =	vadd.f32 v7, v4  }
0x2ef: {  	s22 =	simm.s32 $0x1450;
	v6 =	vadd.f32 v6, v2  }
0x2f0: {  	[tilespmem:s22+$0xFFFFFFF0] =	vst v7  }
0x2f1: {  	[tilespmem:s22+$0x0] =	vst v6  }
0x2f2: {  	v6 =	vld.idx.msk [tilespmem:v8+s16+$0x0], $0xffff;
	_ =	sdelay $0x4  }
0x2f3: {  	s31 =	simm.s32 $0x20;
	v7 =	vmul.f32 v6, v3;
	v8 =	vmul.f32 v6, v5  }
0x2f4: {  	s23 =	simm.s32 $0x2D;
	v6 =	vmov s31  }
.LBB2_44:
0x2f5: {  	p0 =	sne.s32 s23, $0x339;
	v7 =	vadd.f32 v7, v4;
	v8 =	vadd.f32 v8, v2  }
0x2f6: {  	s22 =	sadd.s32 $0x4E0, s22  }
0x2f7: {  	[tilespmem:s22+$0xFFFFFFF0] =	vst v7  }
0x2f8: {  	[tilespmem:s22+$0x0] =	vst v8  }
0x2f9: {  	v6 =	vld.idx.msk [tilespmem:v6+s16+$0x0], $0xffff;
	_ =	sdelay $0x2  }
.Ltmp21:
0x2fa: {  	(pc) =	sbr.rel @p0 .LBB2_44-.Ltmp21, $3  }
0x2fb: {  	_ =	sdelay $0x1  }
0x2fc: {  	v7 =	vmul.f32 v6, v3;
	v8 =	vmul.f32 v6, v5  }
0x2fd: {  	v6 =	vmov s23;
	s23 =	sadd.s32 $0xD, s23  }
0x2fe: {  	v7 =	vadd.f32 v7, v4  }
0x2ff: {  	v8 =	vadd.f32 v8, v2;
	s22 =	sadd.s32 $0x4E0, s22  }
0x300: {  	[tilespmem:s22+$0xFFFFFFF0] =	vst v7  }
0x301: {  	[tilespmem:s22+$0x0] =	vst v8  }
0x302: {  	v6 =	vld.idx.msk [tilespmem:v6+s16+$0x0], $0xffff;
	_ =	sdelay $0x4  }
0x303: {  	v3 =	vmul.f32 v6, v3  }
0x304: {  	s23 =	simm.s32 $0x7;
	v5 =	vmul.f32 v6, v5  }
0x305: {  	v3 =	vadd.f32 v3, v4;
	v4 =	vmov s23  }
0x306: {  	s22 =	sadd.s32 $0x4E0, s22;
	v2 =	vadd.f32 v5, v2  }
0x307: {  	[tilespmem:s22+$0xFFFFFFF0] =	vst v3  }
0x308: {  	[tilespmem:s22+$0x0] =	vst v2  }
0x309: {  	v3 =	vld [tilespmem:$0x14C60]  }
0x30a: {  	v6 =	vld.idx.msk [tilespmem:v4+s16+$0x0], $0xffff  }
0x30b: {  	v5 =	vld [tilespmem:$0x14C70]  }
0x30c: {  	v4 =	vld [tilespmem:$0x14E00]  }
0x30d: {  	v2 =	vld [tilespmem:$0x14E10];
	_ =	sdelay $0x1  }
0x30e: {  	s30 =	simm.s32 $0x14;
	v7 =	vmul.f32 v6, v3  }
0x30f: {  	v8 =	vmov s30;
	v6 =	vmul.f32 v6, v5  }
0x310: {  	v7 =	vadd.f32 v7, v4  }
0x311: {  	s22 =	simm.s32 $0x1470;
	v6 =	vadd.f32 v6, v2  }
0x312: {  	[tilespmem:s22+$0xFFFFFFF0] =	vst v7  }
0x313: {  	[tilespmem:s22+$0x0] =	vst v6  }
0x314: {  	v6 =	vld.idx.msk [tilespmem:v8+s16+$0x0], $0xffff;
	_ =	sdelay $0x4  }
0x315: {  	s31 =	simm.s32 $0x21;
	v7 =	vmul.f32 v6, v3;
	v8 =	vmul.f32 v6, v5  }
0x316: {  	s23 =	simm.s32 $0x2E;
	v6 =	vmov s31  }
.LBB2_46:
0x317: {  	p0 =	sne.s32 s23, $0x33A;
	v7 =	vadd.f32 v7, v4;
	v8 =	vadd.f32 v8, v2  }
0x318: {  	s22 =	sadd.s32 $0x4E0, s22  }
0x319: {  	[tilespmem:s22+$0xFFFFFFF0] =	vst v7  }
0x31a: {  	[tilespmem:s22+$0x0] =	vst v8  }
0x31b: {  	v6 =	vld.idx.msk [tilespmem:v6+s16+$0x0], $0xffff;
	_ =	sdelay $0x2  }
.Ltmp22:
0x31c: {  	(pc) =	sbr.rel @p0 .LBB2_46-.Ltmp22, $3  }
0x31d: {  	_ =	sdelay $0x1  }
0x31e: {  	v7 =	vmul.f32 v6, v3;
	v8 =	vmul.f32 v6, v5  }
0x31f: {  	v6 =	vmov s23;
	s23 =	sadd.s32 $0xD, s23  }
0x320: {  	v7 =	vadd.f32 v7, v4  }
0x321: {  	v8 =	vadd.f32 v8, v2;
	s22 =	sadd.s32 $0x4E0, s22  }
0x322: {  	[tilespmem:s22+$0xFFFFFFF0] =	vst v7  }
0x323: {  	[tilespmem:s22+$0x0] =	vst v8  }
0x324: {  	v6 =	vld.idx.msk [tilespmem:v6+s16+$0x0], $0xffff;
	_ =	sdelay $0x4  }
0x325: {  	v3 =	vmul.f32 v6, v3  }
0x326: {  	s23 =	simm.s32 $0x8;
	v5 =	vmul.f32 v6, v5  }
0x327: {  	v3 =	vadd.f32 v3, v4;
	v4 =	vmov s23  }
0x328: {  	s22 =	sadd.s32 $0x4E0, s22;
	v2 =	vadd.f32 v5, v2  }
0x329: {  	[tilespmem:s22+$0xFFFFFFF0] =	vst v3  }
0x32a: {  	[tilespmem:s22+$0x0] =	vst v2  }
0x32b: {  	v3 =	vld [tilespmem:$0x14C80]  }
0x32c: {  	v6 =	vld.idx.msk [tilespmem:v4+s16+$0x0], $0xffff  }
0x32d: {  	v5 =	vld [tilespmem:$0x14C90]  }
0x32e: {  	v4 =	vld [tilespmem:$0x14E20]  }
0x32f: {  	v2 =	vld [tilespmem:$0x14E30];
	_ =	sdelay $0x1  }
0x330: {  	s30 =	simm.s32 $0x15;
	v7 =	vmul.f32 v6, v3  }
0x331: {  	v8 =	vmov s30;
	v6 =	vmul.f32 v6, v5  }
0x332: {  	v7 =	vadd.f32 v7, v4  }
0x333: {  	s22 =	simm.s32 $0x1490;
	v6 =	vadd.f32 v6, v2  }
0x334: {  	[tilespmem:s22+$0xFFFFFFF0] =	vst v7  }
0x335: {  	[tilespmem:s22+$0x0] =	vst v6  }
0x336: {  	v6 =	vld.idx.msk [tilespmem:v8+s16+$0x0], $0xffff;
	_ =	sdelay $0x4  }
0x337: {  	s31 =	simm.s32 $0x22;
	v7 =	vmul.f32 v6, v3;
	v8 =	vmul.f32 v6, v5  }
0x338: {  	s23 =	simm.s32 $0x2F;
	v6 =	vmov s31  }
.LBB2_48:
0x339: {  	p0 =	sne.s32 s23, $0x33B;
	v7 =	vadd.f32 v7, v4;
	v8 =	vadd.f32 v8, v2  }
0x33a: {  	s22 =	sadd.s32 $0x4E0, s22  }
0x33b: {  	[tilespmem:s22+$0xFFFFFFF0] =	vst v7  }
0x33c: {  	[tilespmem:s22+$0x0] =	vst v8  }
0x33d: {  	v6 =	vld.idx.msk [tilespmem:v6+s16+$0x0], $0xffff;
	_ =	sdelay $0x2  }
.Ltmp23:
0x33e: {  	(pc) =	sbr.rel @p0 .LBB2_48-.Ltmp23, $3  }
0x33f: {  	_ =	sdelay $0x1  }
0x340: {  	v7 =	vmul.f32 v6, v3;
	v8 =	vmul.f32 v6, v5  }
0x341: {  	v6 =	vmov s23;
	s23 =	sadd.s32 $0xD, s23  }
0x342: {  	v7 =	vadd.f32 v7, v4  }
0x343: {  	v8 =	vadd.f32 v8, v2;
	s22 =	sadd.s32 $0x4E0, s22  }
0x344: {  	[tilespmem:s22+$0xFFFFFFF0] =	vst v7  }
0x345: {  	[tilespmem:s22+$0x0] =	vst v8  }
0x346: {  	v6 =	vld.idx.msk [tilespmem:v6+s16+$0x0], $0xffff;
	_ =	sdelay $0x4  }
0x347: {  	v3 =	vmul.f32 v6, v3  }
0x348: {  	s23 =	simm.s32 $0x9;
	v5 =	vmul.f32 v6, v5  }
0x349: {  	v3 =	vadd.f32 v3, v4;
	v4 =	vmov s23  }
0x34a: {  	s22 =	sadd.s32 $0x4E0, s22;
	v2 =	vadd.f32 v5, v2  }
0x34b: {  	[tilespmem:s22+$0xFFFFFFF0] =	vst v3  }
0x34c: {  	[tilespmem:s22+$0x0] =	vst v2  }
0x34d: {  	v3 =	vld [tilespmem:$0x14CA0]  }
0x34e: {  	v6 =	vld.idx.msk [tilespmem:v4+s16+$0x0], $0xffff  }
0x34f: {  	v5 =	vld [tilespmem:$0x14CB0]  }
0x350: {  	v4 =	vld [tilespmem:$0x14E40]  }
0x351: {  	v2 =	vld [tilespmem:$0x14E50];
	_ =	sdelay $0x1  }
0x352: {  	s30 =	simm.s32 $0x16;
	v7 =	vmul.f32 v6, v3  }
0x353: {  	v8 =	vmov s30;
	v6 =	vmul.f32 v6, v5  }
0x354: {  	v7 =	vadd.f32 v7, v4  }
0x355: {  	s22 =	simm.s32 $0x14B0;
	v6 =	vadd.f32 v6, v2  }
0x356: {  	[tilespmem:s22+$0xFFFFFFF0] =	vst v7  }
0x357: {  	[tilespmem:s22+$0x0] =	vst v6  }
0x358: {  	v6 =	vld.idx.msk [tilespmem:v8+s16+$0x0], $0xffff;
	_ =	sdelay $0x4  }
0x359: {  	s31 =	simm.s32 $0x23;
	v7 =	vmul.f32 v6, v3;
	v8 =	vmul.f32 v6, v5  }
0x35a: {  	s23 =	simm.s32 $0x30;
	v6 =	vmov s31  }
.LBB2_50:
0x35b: {  	p0 =	sne.s32 s23, $0x33C;
	v7 =	vadd.f32 v7, v4;
	v8 =	vadd.f32 v8, v2  }
0x35c: {  	s22 =	sadd.s32 $0x4E0, s22  }
0x35d: {  	[tilespmem:s22+$0xFFFFFFF0] =	vst v7  }
0x35e: {  	[tilespmem:s22+$0x0] =	vst v8  }
0x35f: {  	v6 =	vld.idx.msk [tilespmem:v6+s16+$0x0], $0xffff;
	_ =	sdelay $0x2  }
.Ltmp24:
0x360: {  	(pc) =	sbr.rel @p0 .LBB2_50-.Ltmp24, $3  }
0x361: {  	_ =	sdelay $0x1  }
0x362: {  	v7 =	vmul.f32 v6, v3;
	v8 =	vmul.f32 v6, v5  }
0x363: {  	v6 =	vmov s23;
	s23 =	sadd.s32 $0xD, s23  }
0x364: {  	v7 =	vadd.f32 v7, v4  }
0x365: {  	v8 =	vadd.f32 v8, v2;
	s22 =	sadd.s32 $0x4E0, s22  }
0x366: {  	[tilespmem:s22+$0xFFFFFFF0] =	vst v7  }
0x367: {  	[tilespmem:s22+$0x0] =	vst v8  }
0x368: {  	v6 =	vld.idx.msk [tilespmem:v6+s16+$0x0], $0xffff;
	_ =	sdelay $0x4  }
0x369: {  	v3 =	vmul.f32 v6, v3  }
0x36a: {  	s23 =	simm.s32 $0xA;
	v5 =	vmul.f32 v6, v5  }
0x36b: {  	v3 =	vadd.f32 v3, v4;
	v4 =	vmov s23  }
0x36c: {  	s22 =	sadd.s32 $0x4E0, s22;
	v2 =	vadd.f32 v5, v2  }
0x36d: {  	[tilespmem:s22+$0xFFFFFFF0] =	vst v3  }
0x36e: {  	[tilespmem:s22+$0x0] =	vst v2  }
0x36f: {  	v3 =	vld [tilespmem:$0x14CC0]  }
0x370: {  	v6 =	vld.idx.msk [tilespmem:v4+s16+$0x0], $0xffff  }
0x371: {  	v5 =	vld [tilespmem:$0x14CD0]  }
0x372: {  	v4 =	vld [tilespmem:$0x14E60]  }
0x373: {  	v2 =	vld [tilespmem:$0x14E70];
	_ =	sdelay $0x1  }
0x374: {  	s30 =	simm.s32 $0x17;
	v7 =	vmul.f32 v6, v3  }
0x375: {  	v8 =	vmov s30;
	v6 =	vmul.f32 v6, v5  }
0x376: {  	v7 =	vadd.f32 v7, v4  }
0x377: {  	s22 =	simm.s32 $0x14D0;
	v6 =	vadd.f32 v6, v2  }
0x378: {  	[tilespmem:s22+$0xFFFFFFF0] =	vst v7  }
0x379: {  	[tilespmem:s22+$0x0] =	vst v6  }
0x37a: {  	v6 =	vld.idx.msk [tilespmem:v8+s16+$0x0], $0xffff;
	_ =	sdelay $0x4  }
0x37b: {  	s31 =	simm.s32 $0x24;
	v7 =	vmul.f32 v6, v3;
	v8 =	vmul.f32 v6, v5  }
0x37c: {  	s23 =	simm.s32 $0x31;
	v6 =	vmov s31  }
.LBB2_52:
0x37d: {  	p0 =	sne.s32 s23, $0x33D;
	v7 =	vadd.f32 v7, v4;
	v8 =	vadd.f32 v8, v2  }
0x37e: {  	s22 =	sadd.s32 $0x4E0, s22  }
0x37f: {  	[tilespmem:s22+$0xFFFFFFF0] =	vst v7  }
0x380: {  	[tilespmem:s22+$0x0] =	vst v8  }
0x381: {  	v6 =	vld.idx.msk [tilespmem:v6+s16+$0x0], $0xffff;
	_ =	sdelay $0x2  }
.Ltmp25:
0x382: {  	(pc) =	sbr.rel @p0 .LBB2_52-.Ltmp25, $3  }
0x383: {  	_ =	sdelay $0x1  }
0x384: {  	v7 =	vmul.f32 v6, v3;
	v8 =	vmul.f32 v6, v5  }
0x385: {  	v6 =	vmov s23;
	s23 =	sadd.s32 $0xD, s23  }
0x386: {  	v7 =	vadd.f32 v7, v4  }
0x387: {  	v8 =	vadd.f32 v8, v2;
	s22 =	sadd.s32 $0x4E0, s22  }
0x388: {  	[tilespmem:s22+$0xFFFFFFF0] =	vst v7  }
0x389: {  	[tilespmem:s22+$0x0] =	vst v8  }
0x38a: {  	v6 =	vld.idx.msk [tilespmem:v6+s16+$0x0], $0xffff;
	_ =	sdelay $0x4  }
0x38b: {  	v3 =	vmul.f32 v6, v3  }
0x38c: {  	s23 =	simm.s32 $0xB;
	v5 =	vmul.f32 v6, v5  }
0x38d: {  	v3 =	vadd.f32 v3, v4;
	v4 =	vmov s23  }
0x38e: {  	s22 =	sadd.s32 $0x4E0, s22;
	v2 =	vadd.f32 v5, v2  }
0x38f: {  	[tilespmem:s22+$0xFFFFFFF0] =	vst v3  }
0x390: {  	[tilespmem:s22+$0x0] =	vst v2  }
0x391: {  	v3 =	vld [tilespmem:$0x14CE0]  }
0x392: {  	v6 =	vld.idx.msk [tilespmem:v4+s16+$0x0], $0xffff  }
0x393: {  	v5 =	vld [tilespmem:$0x14CF0]  }
0x394: {  	v4 =	vld [tilespmem:$0x14E80]  }
0x395: {  	v2 =	vld [tilespmem:$0x14E90];
	_ =	sdelay $0x1  }
0x396: {  	s30 =	simm.s32 $0x18;
	v7 =	vmul.f32 v6, v3  }
0x397: {  	v8 =	vmov s30;
	v6 =	vmul.f32 v6, v5  }
0x398: {  	v7 =	vadd.f32 v7, v4  }
0x399: {  	s22 =	simm.s32 $0x14F0;
	v6 =	vadd.f32 v6, v2  }
0x39a: {  	[tilespmem:s22+$0xFFFFFFF0] =	vst v7  }
0x39b: {  	[tilespmem:s22+$0x0] =	vst v6  }
0x39c: {  	v6 =	vld.idx.msk [tilespmem:v8+s16+$0x0], $0xffff;
	_ =	sdelay $0x4  }
0x39d: {  	s31 =	simm.s32 $0x25;
	v7 =	vmul.f32 v6, v3;
	v8 =	vmul.f32 v6, v5  }
0x39e: {  	s23 =	simm.s32 $0x32;
	v6 =	vmov s31  }
.LBB2_54:
0x39f: {  	p0 =	sne.s32 s23, $0x33E;
	v7 =	vadd.f32 v7, v4;
	v8 =	vadd.f32 v8, v2  }
0x3a0: {  	s22 =	sadd.s32 $0x4E0, s22  }
0x3a1: {  	[tilespmem:s22+$0xFFFFFFF0] =	vst v7  }
0x3a2: {  	[tilespmem:s22+$0x0] =	vst v8  }
0x3a3: {  	v6 =	vld.idx.msk [tilespmem:v6+s16+$0x0], $0xffff;
	_ =	sdelay $0x2  }
.Ltmp26:
0x3a4: {  	(pc) =	sbr.rel @p0 .LBB2_54-.Ltmp26, $3  }
0x3a5: {  	_ =	sdelay $0x1  }
0x3a6: {  	v7 =	vmul.f32 v6, v3;
	v8 =	vmul.f32 v6, v5  }
0x3a7: {  	v6 =	vmov s23;
	s23 =	sadd.s32 $0xD, s23  }
0x3a8: {  	v7 =	vadd.f32 v7, v4  }
0x3a9: {  	v8 =	vadd.f32 v8, v2;
	s22 =	sadd.s32 $0x4E0, s22  }
0x3aa: {  	[tilespmem:s22+$0xFFFFFFF0] =	vst v7  }
0x3ab: {  	[tilespmem:s22+$0x0] =	vst v8  }
0x3ac: {  	v6 =	vld.idx.msk [tilespmem:v6+s16+$0x0], $0xffff;
	_ =	sdelay $0x4  }
0x3ad: {  	v3 =	vmul.f32 v6, v3  }
0x3ae: {  	s23 =	simm.s32 $0xC;
	v5 =	vmul.f32 v6, v5  }
0x3af: {  	v3 =	vadd.f32 v3, v4;
	v4 =	vmov s23  }
0x3b0: {  	s22 =	sadd.s32 $0x4E0, s22;
	v2 =	vadd.f32 v5, v2  }
0x3b1: {  	[tilespmem:s22+$0xFFFFFFF0] =	vst v3  }
0x3b2: {  	[tilespmem:s22+$0x0] =	vst v2  }
0x3b3: {  	v2 =	vld [tilespmem:$0x14D00]  }
0x3b4: {  	v6 =	vld.idx.msk [tilespmem:v4+s16+$0x0], $0xffff  }
0x3b5: {  	v3 =	vld [tilespmem:$0x14D10]  }
0x3b6: {  	v4 =	vld [tilespmem:$0x14EA0]  }
0x3b7: {  	v5 =	vld [tilespmem:$0x14EB0];
	_ =	sdelay $0x1  }
0x3b8: {  	s30 =	simm.s32 $0x19;
	v7 =	vmul.f32 v6, v2  }
0x3b9: {  	v8 =	vmov s30;
	v6 =	vmul.f32 v6, v3  }
0x3ba: {  	v7 =	vadd.f32 v7, v4  }
0x3bb: {  	s22 =	simm.s32 $0x1510;
	v6 =	vadd.f32 v6, v5  }
0x3bc: {  	[tilespmem:s22+$0xFFFFFFF0] =	vst v7  }
0x3bd: {  	[tilespmem:s22+$0x0] =	vst v6  }
0x3be: {  	v6 =	vld.idx.msk [tilespmem:v8+s16+$0x0], $0xffff;
	_ =	sdelay $0x4  }
0x3bf: {  	s31 =	simm.s32 $0x26;
	v7 =	vmul.f32 v6, v2;
	v8 =	vmul.f32 v6, v3  }
0x3c0: {  	s23 =	simm.s32 $0x33;
	v6 =	vmov s31  }
.LBB2_56:
0x3c1: {  	p0 =	sne.s32 s23, $0x33F;
	v7 =	vadd.f32 v7, v4;
	v8 =	vadd.f32 v8, v5  }
0x3c2: {  	s22 =	sadd.s32 $0x4E0, s22  }
0x3c3: {  	[tilespmem:s22+$0xFFFFFFF0] =	vst v7  }
0x3c4: {  	[tilespmem:s22+$0x0] =	vst v8  }
0x3c5: {  	v6 =	vld.idx.msk [tilespmem:v6+s16+$0x0], $0xffff;
	_ =	sdelay $0x2  }
.Ltmp27:
0x3c6: {  	(pc) =	sbr.rel @p0 .LBB2_56-.Ltmp27, $3  }
0x3c7: {  	_ =	sdelay $0x1  }
0x3c8: {  	v7 =	vmul.f32 v6, v2;
	v8 =	vmul.f32 v6, v3  }
0x3c9: {  	v6 =	vmov s23;
	s23 =	sadd.s32 $0xD, s23  }
0x3ca: {  	v7 =	vadd.f32 v7, v4  }
0x3cb: {  	v8 =	vadd.f32 v8, v5;
	s22 =	sadd.s32 $0x4E0, s22  }
0x3cc: {  	[tilespmem:s22+$0xFFFFFFF0] =	vst v7  }
0x3cd: {  	[tilespmem:s22+$0x0] =	vst v8  }
0x3ce: {  	v6 =	vld.idx.msk [tilespmem:v6+s16+$0x0], $0xffff;
	_ =	sdelay $0x4  }
0x3cf: {  	v2 =	vmul.f32 v6, v2  }
0x3d0: {  	v3 =	vmul.f32 v6, v3  }
0x3d1: {  	v2 =	vadd.f32 v2, v4  }
0x3d2: {  	s22 =	sadd.s32 $0x4E0, s22;
	v3 =	vadd.f32 v3, v5  }
0x3d3: {  	[tilespmem:s22+$0xFFFFFFF0] =	vst v2  }
0x3d4: {  	[tilespmem:s22+$0x0] =	vst v3  }
0x3d5: {  	s21 =	sadd.s32 $0x1, s21;
	_ =	swait.ge [sflag:s20], $0x13800  }
0x3d6: {  	p0 =	sne.s32 s21, s12;
	[sflag:s20] =	ssyncset.done $0x0  }
.Ltmp28:
0x3d7: {  	[sflag:s20] =	ssyncadd.s32 $0xFFFEC800;
	(pc) =	sbr.rel @p0 .LBB2_1-.Ltmp28, $4  }
0x3d8: {  	[hbm4b:s11+s2] =	stream.linear.scatter [tilespmem:s19], [sflag:$0x2], $0x13800, $0x38;
	[tilespmem:$0x14EC0] =	vst v63  }
0x3d9: {  	_ =	swait.ge [sflag:s14], $0x13800  }
0x3da: {  	[sflag:s14] =	ssyncset.done $0x0  }
0x3db: {  	[sflag:s14] =	ssyncadd.s32 $0xFFFEC800  }
0x3dc: {  	_ =	sfence.sel $0x180000  }
0x3dd: {  	[bflag:$0x0] =	sbarrier.arrive $0xFFFF  }
0x3de: {  	p0 =	sne.s32 s1, $0x0;
	_ =	strace $0x90000047  }
0x3df: {  	s0 =	sadd.s32 @!p0 $0x100000, s0;
	[bflag:$0x2] =	sbarrier.arrive $0xFFFF  }
0x3e0: {  	[sflag:s0] =	ssyncadd.tile.s32 @!p0 $0x1;
	_ =	shalt  }
.Lfunc_end2:
_tile_overlayer_lowered:
.L_overlay_start_2:
0x3e1: {  	(tag) =	ssettag $0x2  }
0x3e2: {  	s0 =	rddreg [dreg:$0x0];
	s2 =	stileid.u32  }
0x3e3: {  	s1 =	rddreg [dreg:$0x1];
	p0 =	sne.s32 s2, $0x0  }
0x3e4: {  	s3 =	rddreg [dreg:$0x2];
	[bflag:$0x3] =	sbarrier.arrive $0xFFFF;
	s2 =	simm.s32 @!p0 $0x1C02  }
0x3e5: {  	[timem:s3], [sflag:s2] =	dma.local @!p0 [hbm:s0], s1  }
0x3e6: {  	s0 =	simm.s32 @!p0 $0x2  }
0x3e7: {  	_ =	swait.ge @!p0 [sflag:s0], s1  }
0x3e8: {  	s1 =	ssub.s32 @!p0 $0x0, s1;
	[sflag:s0] =	ssyncset.done @!p0 $0x0  }
0x3e9: {  	[sflag:s0] =	ssyncadd.s32 @!p0 s1  }
0x3ea: {  	[bflag:$0x3] =	sbarrier.arrive $0xFFFF  }
0x3eb: {  	_ =	shalt  }

</sc_bundles>
